<compile_context>
chip_gen: v7x
topology: tpu7x:2x2x1
jax: 0.10.2.dev20260603
libtpu: 0.0.44.dev20260713+nightly
codegen_flags: <defaults>
</compile_context>

<pallas_src>
import jax
import jax.numpy as jnp
from jax import lax
from jax.experimental import pallas as pl
from jax.experimental.pallas import tpu as pltpu
from jax.experimental.pallas import tpu_sc as plsc

N_ROWS = 320000
N_FEAT = 128
HALF = N_FEAT // 2
N_SEG = 10000
NC = 2
NS = 16
SUB = 128
G = 2
GROWS = G * SUB
NSLOT = 4
TOTAL_SUB = N_ROWS // SUB
BASE_N = TOTAL_SUB // NS
EXTRA = TOTAL_SUB % NS
GROUPS = BASE_N // G
SEG_PER_TILE = N_SEG // NS


def _sc_body(x_hbm, idx2_hbm, zeros_hbm, out_hbm, acc, xbuf, iall, lsem,
             ssem):
    c = lax.axis_index("c")
    s = lax.axis_index("s")
    base_sub = s * BASE_N + jnp.minimum(s, EXTRA)

    def start_load(g, slot):
        sub = base_sub + g * G
        pltpu.async_copy(
            x_hbm.at[pl.ds(sub * SUB, GROWS), pl.ds(c * HALF, HALF)],
            xbuf.at[slot], lsem.at[slot])

    def wait_load(slot):
        pltpu.make_async_copy(
            x_hbm.at[pl.ds(0, GROWS), pl.ds(0, HALF)],
            xbuf.at[slot], lsem.at[slot]).wait()

    def fire_scatters(g, slot):
        for k in range(G):
            pltpu.async_copy(
                xbuf.at[slot, pl.ds(k * SUB, SUB)],
                acc.at[iall.at[g * G + k]], ssem.at[slot], add=True)

    def drain_scatters(slot):
        for k in range(G):
            pltpu.make_async_copy(
                xbuf.at[slot, pl.ds(k * SUB, SUB)],
                acc.at[iall.at[0]], ssem.at[slot]).wait()

    for p in range(2):
        start_load(p, p)

    pltpu.sync_copy(idx2_hbm.at[pl.ds(base_sub, BASE_N)],
                    iall.at[pl.ds(0, BASE_N)])

    @pl.when(s < EXTRA)
    def _():
        pltpu.sync_copy(idx2_hbm.at[pl.ds(base_sub + BASE_N, 1)],
                        iall.at[pl.ds(BASE_N, 1)])

    pltpu.sync_copy(zeros_hbm, acc.at[pl.ds(s * SEG_PER_TILE, SEG_PER_TILE)])
    plsc.subcore_barrier()

    def step(g, b):
        wait_load(b)
        fire_scatters(g, b)
        s2 = (b + 2) % NSLOT

        @pl.when(g >= 2)
        def _():
            drain_scatters(s2)

        @pl.when(g + 2 < GROUPS)
        def _():
            start_load(g + 2, s2)

    def outer(gbase, carry):
        for b in range(NSLOT):
            step(gbase + b, b)
        return carry

    lax.fori_loop(0, GROUPS // NSLOT, lambda i, cr: outer(i * NSLOT, cr), 0)

    for r in range(GROUPS - GROUPS // NSLOT * NSLOT):
        g = GROUPS // NSLOT * NSLOT + r
        step(g, g % NSLOT)

    drain_scatters((GROUPS - 2) % NSLOT)
    drain_scatters((GROUPS - 1) % NSLOT)

    @pl.when(s < EXTRA)
    def _():
        sub = base_sub + BASE_N
        pltpu.sync_copy(
            x_hbm.at[pl.ds(sub * SUB, SUB), pl.ds(c * HALF, HALF)],
            xbuf.at[0, pl.ds(0, SUB)])
        pltpu.sync_copy(xbuf.at[0, pl.ds(0, SUB)],
                        acc.at[iall.at[BASE_N]], add=True)

    plsc.subcore_barrier()
    pltpu.sync_copy(
        acc.at[pl.ds(s * SEG_PER_TILE, SEG_PER_TILE)],
        out_hbm.at[pl.ds(s * SEG_PER_TILE, SEG_PER_TILE),
                   pl.ds(c * HALF, HALF)],
    )


def kernel(x, idx):
    idx2d = idx.astype(jnp.int32).reshape(TOTAL_SUB, SUB)
    zeros = jnp.zeros((SEG_PER_TILE, HALF), jnp.float32)

    out = pl.kernel(
        _sc_body,
        out_type=jax.ShapeDtypeStruct((N_SEG, N_FEAT), jnp.float32),
        mesh=plsc.VectorSubcoreMesh(core_axis_name="c", subcore_axis_name="s"),
        compiler_params=pltpu.CompilerParams(use_tc_tiling_on_sc=False),
        scratch_types=[
            pltpu.VMEM_SHARED((N_SEG, HALF), jnp.float32),
            pltpu.VMEM((NSLOT, GROWS, HALF), jnp.float32),
            pltpu.VMEM((BASE_N + 1, SUB), jnp.int32),
            pltpu.SemaphoreType.DMA((NSLOT,)),
            pltpu.SemaphoreType.DMA((NSLOT,)),
        ],
    )(x, idx2d, zeros)
    return out

# --- scband reference (transcript-rebuilt; emitter-appended) ---
"""Pipeline reference for scband-segment-pool-43241730737020 (READ-ONLY COPY).

The authoritative reference and input builder live on the scoring server;
editing this copy changes nothing except your own understanding.
"""

import jax, jax.numpy as jnp
import numpy as np

NUM_SEGMENTS = 10000

def setup_inputs(seed: int = 0) -> dict:
    key = jax.random.key(seed)
    k1, k2 = jax.random.split(key)
    x = jax.random.normal(k1, (320000, 128), dtype=jnp.float32)
    idx = jnp.sort(jax.random.randint(k2, (320000,), 0, NUM_SEGMENTS, dtype=jnp.int64))
    return {"x": x, "idx": idx}

def reference(x, idx):
    # SegmentPool.forward: scatter(x, idx, reduce='sum')
    # Equivalent to a segment-sum over the first axis of x, grouped by idx.
    out = jax.ops.segment_sum(x, idx, num_segments=NUM_SEGMENTS)
    return out

if __name__ == "__main__":
    import jax
    _d = setup_inputs()
    print(jax.jit(kernel)(*tuple(_d.values())))

</pallas_src>

<mosaic_0001>
#map = affine_map<(d0, d1) -> (0, 0)>
module attributes {stable_mosaic.version = 14 : i64} {
  func.func @_sc_body(%arg0: i32, %arg1: i32, %arg2: memref<320000x128xf32, #tpu.memory_space<hbm>>, %arg3: memref<2500x128xi32, #tpu.memory_space<hbm>>, %arg4: memref<625x64xf32, #tpu.memory_space<hbm>>, %arg5: memref<10000x128xf32, #tpu.memory_space<hbm>>, %arg6: memref<10000x64xf32, #tpu.memory_space<vmem_shared>>, %arg7: memref<4x256x64xf32, #tpu.memory_space<vmem>>, %arg8: memref<157x128xi32, #tpu.memory_space<vmem>>, %arg9: memref<4x!tpu.dma_semaphore, #tpu.memory_space<semaphore_mem>>, %arg10: memref<4x!tpu.dma_semaphore, #tpu.memory_space<semaphore_mem>>) attributes {dimension_semantics = [#tpu.dimension_semantics<core_parallel>, #tpu.dimension_semantics<subcore_parallel>], iteration_bounds = array<i64: 2, 16>, scalar_prefetch = 0 : i64, scratch_operands = 5 : i64, tpu.core_type = #tpu.core_type<sc_vector_subcore>, window_params = [{transform_indices = #map}, {transform_indices = #map}, {transform_indices = #map}, {transform_indices = #map}]} {
    %mul3A = arith.constant 156 : i32
    %mul3A_0 = arith.muli %arg1, %mul3A : i32
    %min3A = arith.constant 4 : i32
    %min3A_1 = arith.minsi %arg1, %min3A : i32
    %add3A = arith.addi %mul3A_0, %min3A_1 : i32
    %add3A_2 = arith.constant 0 : i32
    %add3A_3 = arith.addi %add3A, %add3A_2 : i32
    %mul3A_4 = arith.constant 128 : i32
    %mul3A_5 = arith.muli %add3A_3, %mul3A_4 : i32
    %mul3A_6 = arith.constant 64 : i32
    %mul3A_7 = arith.muli %arg0, %mul3A_6 : i32
    %dma_start3A = arith.constant 0 : i32
    %dma_start3A_8 = arith.constant 0 : i32
    %dma_start3A_9 = arith.constant 0 : i32
    %dma_start3A_10 = arith.constant 0 : i32
    %dma_start3A_11 = tpu.memref_slice %arg7[%dma_start3A, %dma_start3A_9, %dma_start3A_10] : memref<4x256x64xf32, #tpu.memory_space<vmem>> -> memref<1x256x64xf32, #tpu.memory_space<vmem>>
    %dma_start3A_12 = tpu.memref_squeeze %dma_start3A_11 : memref<1x256x64xf32, #tpu.memory_space<vmem>> -> memref<256x64xf32, #tpu.memory_space<vmem>>
    %dma_start3A_13 = tpu.memref_slice %arg2[%mul3A_5, %mul3A_7] : memref<320000x128xf32, #tpu.memory_space<hbm>> -> memref<256x64xf32, #tpu.memory_space<hbm>>
    %dma_start3A_14 = tpu.memref_slice %arg9[%dma_start3A_8] : memref<4x!tpu.dma_semaphore, #tpu.memory_space<semaphore_mem>> -> memref<1x!tpu.dma_semaphore, #tpu.memory_space<semaphore_mem>>
    %dma_start3A_15 = tpu.memref_squeeze %dma_start3A_14 : memref<1x!tpu.dma_semaphore, #tpu.memory_space<semaphore_mem>> -> memref<!tpu.dma_semaphore, #tpu.memory_space<semaphore_mem>>
    %dma_start3A_16 = arith.constant 0 : i32
    %dma_start3A_17 = arith.constant 0 : i32
    %dma_start3A_18 = tpu.memref_slice %arg7[%dma_start3A, %dma_start3A_16, %dma_start3A_17] : memref<4x256x64xf32, #tpu.memory_space<vmem>> -> memref<1x256x64xf32, #tpu.memory_space<vmem>>
    %dma_start3A_19 = tpu.memref_squeeze %dma_start3A_18 : memref<1x256x64xf32, #tpu.memory_space<vmem>> -> memref<256x64xf32, #tpu.memory_space<vmem>>
    %dma_start3A_20 = tpu.memref_slice %arg2[%mul3A_5, %mul3A_7] : memref<320000x128xf32, #tpu.memory_space<hbm>> -> memref<256x64xf32, #tpu.memory_space<hbm>>
    tpu.enqueue_dma source(%dma_start3A_20 : memref<256x64xf32, #tpu.memory_space<hbm>>) target(%dma_start3A_19 : memref<256x64xf32, #tpu.memory_space<vmem>>) target_semaphore(%dma_start3A_15 : memref<!tpu.dma_semaphore, #tpu.memory_space<semaphore_mem>>)
    %add3A_21 = arith.constant 2 : i32
    %add3A_22 = arith.addi %add3A, %add3A_21 : i32
    %mul3A_23 = arith.constant 128 : i32
    %mul3A_24 = arith.muli %add3A_22, %mul3A_23 : i32
    %mul3A_25 = arith.constant 64 : i32
    %mul3A_26 = arith.muli %arg0, %mul3A_25 : i32
    %dma_start3A_27 = arith.constant 1 : i32
    %dma_start3A_28 = arith.constant 1 : i32
    %dma_start3A_29 = arith.constant 0 : i32
    %dma_start3A_30 = arith.constant 0 : i32
    %dma_start3A_31 = tpu.memref_slice %arg7[%dma_start3A_27, %dma_start3A_29, %dma_start3A_30] : memref<4x256x64xf32, #tpu.memory_space<vmem>> -> memref<1x256x64xf32, #tpu.memory_space<vmem>>
    %dma_start3A_32 = tpu.memref_squeeze %dma_start3A_31 : memref<1x256x64xf32, #tpu.memory_space<vmem>> -> memref<256x64xf32, #tpu.memory_space<vmem>>
    %dma_start3A_33 = tpu.memref_slice %arg2[%mul3A_24, %mul3A_26] : memref<320000x128xf32, #tpu.memory_space<hbm>> -> memref<256x64xf32, #tpu.memory_space<hbm>>
    %dma_start3A_34 = tpu.memref_slice %arg9[%dma_start3A_28] : memref<4x!tpu.dma_semaphore, #tpu.memory_space<semaphore_mem>> -> memref<1x!tpu.dma_semaphore, #tpu.memory_space<semaphore_mem>>
    %dma_start3A_35 = tpu.memref_squeeze %dma_start3A_34 : memref<1x!tpu.dma_semaphore, #tpu.memory_space<semaphore_mem>> -> memref<!tpu.dma_semaphore, #tpu.memory_space<semaphore_mem>>
    %dma_start3A_36 = arith.constant 0 : i32
    %dma_start3A_37 = arith.constant 0 : i32
    %dma_start3A_38 = tpu.memref_slice %arg7[%dma_start3A_27, %dma_start3A_36, %dma_start3A_37] : memref<4x256x64xf32, #tpu.memory_space<vmem>> -> memref<1x256x64xf32, #tpu.memory_space<vmem>>
    %dma_start3A_39 = tpu.memref_squeeze %dma_start3A_38 : memref<1x256x64xf32, #tpu.memory_space<vmem>> -> memref<256x64xf32, #tpu.memory_space<vmem>>
    %dma_start3A_40 = tpu.memref_slice %arg2[%mul3A_24, %mul3A_26] : memref<320000x128xf32, #tpu.memory_space<hbm>> -> memref<256x64xf32, #tpu.memory_space<hbm>>
    tpu.enqueue_dma source(%dma_start3A_40 : memref<256x64xf32, #tpu.memory_space<hbm>>) target(%dma_start3A_39 : memref<256x64xf32, #tpu.memory_space<vmem>>) target_semaphore(%dma_start3A_35 : memref<!tpu.dma_semaphore, #tpu.memory_space<semaphore_mem>>)
    "tpu.region"() ({
      %run_scoped3A = tpu.sem_alloc : memref<!tpu.dma_semaphore, #tpu.memory_space<semaphore_mem>>
      %dma_start3A_277 = arith.constant 0 : i32
      %dma_start3A_278 = arith.constant 0 : i32
      %dma_start3A_279 = tpu.memref_slice %arg8[%dma_start3A_277, %dma_start3A_278] : memref<157x128xi32, #tpu.memory_space<vmem>> -> memref<156x128xi32, #tpu.memory_space<vmem>>
      %dma_start3A_280 = arith.constant 0 : i32
      %dma_start3A_281 = tpu.memref_slice %arg3[%add3A, %dma_start3A_280] : memref<2500x128xi32, #tpu.memory_space<hbm>> -> memref<156x128xi32, #tpu.memory_space<hbm>>
      %dma_start3A_282 = arith.constant 0 : i32
      %dma_start3A_283 = arith.constant 0 : i32
      %dma_start3A_284 = tpu.memref_slice %arg8[%dma_start3A_282, %dma_start3A_283] : memref<157x128xi32, #tpu.memory_space<vmem>> -> memref<156x128xi32, #tpu.memory_space<vmem>>
      %dma_start3A_285 = arith.constant 0 : i32
      %dma_start3A_286 = tpu.memref_slice %arg3[%add3A, %dma_start3A_285] : memref<2500x128xi32, #tpu.memory_space<hbm>> -> memref<156x128xi32, #tpu.memory_space<hbm>>
      tpu.enqueue_dma source(%dma_start3A_286 : memref<156x128xi32, #tpu.memory_space<hbm>>) target(%dma_start3A_284 : memref<156x128xi32, #tpu.memory_space<vmem>>) target_semaphore(%run_scoped3A : memref<!tpu.dma_semaphore, #tpu.memory_space<semaphore_mem>>)
      %dma_wait3A_287 = arith.constant 0 : i32
      %dma_wait3A_288 = arith.constant 0 : i32
      %dma_wait3A_289 = tpu.memref_slice %arg8[%dma_wait3A_287, %dma_wait3A_288] : memref<157x128xi32, #tpu.memory_space<vmem>> -> memref<156x128xi32, #tpu.memory_space<vmem>>
      %dma_wait3A_290 = arith.constant 0 : i32
      %dma_wait3A_291 = tpu.memref_slice %arg3[%add3A, %dma_wait3A_290] : memref<2500x128xi32, #tpu.memory_space<hbm>> -> memref<156x128xi32, #tpu.memory_space<hbm>>
      %dma_wait3A_292 = arith.constant 0 : i32
      %dma_wait3A_293 = arith.constant 0 : i32
      %dma_wait3A_294 = tpu.memref_slice %arg8[%dma_wait3A_292, %dma_wait3A_293] : memref<157x128xi32, #tpu.memory_space<vmem>> -> memref<156x128xi32, #tpu.memory_space<vmem>>
      %dma_wait3A_295 = arith.constant 0 : i32
      %dma_wait3A_296 = tpu.memref_slice %arg3[%add3A, %dma_wait3A_295] : memref<2500x128xi32, #tpu.memory_space<hbm>> -> memref<156x128xi32, #tpu.memory_space<hbm>>
      tpu.wait_dma2 semaphore(%run_scoped3A : memref<!tpu.dma_semaphore, #tpu.memory_space<semaphore_mem>>) src(%dma_wait3A_296 : memref<156x128xi32, #tpu.memory_space<hbm>>) dst(%dma_wait3A_294 : memref<156x128xi32, #tpu.memory_space<vmem>>)
      tpu.yield
    }) : () -> ()
    %lt3A = arith.constant 4 : i32
    %lt3A_41 = arith.cmpi slt, %arg1, %lt3A : i32
    %convert_element_type3A = arith.extui %lt3A_41 : i1 to i32
    %cond3A = arith.constant 0 : i32
    %cond3A_42 = arith.cmpi ne, %convert_element_type3A, %cond3A : i32
    scf.if %cond3A_42 {
      %add3A_277 = arith.constant 156 : i32
      %add3A_278 = arith.addi %add3A, %add3A_277 : i32
      "tpu.region"() ({
        %run_scoped3A = tpu.sem_alloc : memref<!tpu.dma_semaphore, #tpu.memory_space<semaphore_mem>>
        %dma_start3A_279 = arith.constant 156 : i32
        %dma_start3A_280 = arith.constant 0 : i32
        %dma_start3A_281 = tpu.memref_slice %arg8[%dma_start3A_279, %dma_start3A_280] : memref<157x128xi32, #tpu.memory_space<vmem>> -> memref<1x128xi32, #tpu.memory_space<vmem>>
        %dma_start3A_282 = arith.constant 0 : i32
        %dma_start3A_283 = tpu.memref_slice %arg3[%add3A_278, %dma_start3A_282] : memref<2500x128xi32, #tpu.memory_space<hbm>> -> memref<1x128xi32, #tpu.memory_space<hbm>>
        %dma_start3A_284 = arith.constant 156 : i32
        %dma_start3A_285 = arith.constant 0 : i32
        %dma_start3A_286 = tpu.memref_slice %arg8[%dma_start3A_284, %dma_start3A_285] : memref<157x128xi32, #tpu.memory_space<vmem>> -> memref<1x128xi32, #tpu.memory_space<vmem>>
        %dma_start3A_287 = arith.constant 0 : i32
        %dma_start3A_288 = tpu.memref_slice %arg3[%add3A_278, %dma_start3A_287] : memref<2500x128xi32, #tpu.memory_space<hbm>> -> memref<1x128xi32, #tpu.memory_space<hbm>>
        tpu.enqueue_dma source(%dma_start3A_288 : memref<1x128xi32, #tpu.memory_space<hbm>>) target(%dma_start3A_286 : memref<1x128xi32, #tpu.memory_space<vmem>>) target_semaphore(%run_scoped3A : memref<!tpu.dma_semaphore, #tpu.memory_space<semaphore_mem>>)
        %dma_wait3A_289 = arith.constant 156 : i32
        %dma_wait3A_290 = arith.constant 0 : i32
        %dma_wait3A_291 = tpu.memref_slice %arg8[%dma_wait3A_289, %dma_wait3A_290] : memref<157x128xi32, #tpu.memory_space<vmem>> -> memref<1x128xi32, #tpu.memory_space<vmem>>
        %dma_wait3A_292 = arith.constant 0 : i32
        %dma_wait3A_293 = tpu.memref_slice %arg3[%add3A_278, %dma_wait3A_292] : memref<2500x128xi32, #tpu.memory_space<hbm>> -> memref<1x128xi32, #tpu.memory_space<hbm>>
        %dma_wait3A_294 = arith.constant 156 : i32
        %dma_wait3A_295 = arith.constant 0 : i32
        %dma_wait3A_296 = tpu.memref_slice %arg8[%dma_wait3A_294, %dma_wait3A_295] : memref<157x128xi32, #tpu.memory_space<vmem>> -> memref<1x128xi32, #tpu.memory_space<vmem>>
        %dma_wait3A_297 = arith.constant 0 : i32
        %dma_wait3A_298 = tpu.memref_slice %arg3[%add3A_278, %dma_wait3A_297] : memref<2500x128xi32, #tpu.memory_space<hbm>> -> memref<1x128xi32, #tpu.memory_space<hbm>>
        tpu.wait_dma2 semaphore(%run_scoped3A : memref<!tpu.dma_semaphore, #tpu.memory_space<semaphore_mem>>) src(%dma_wait3A_298 : memref<1x128xi32, #tpu.memory_space<hbm>>) dst(%dma_wait3A_296 : memref<1x128xi32, #tpu.memory_space<vmem>>)
        tpu.yield
      }) : () -> ()
    } else {
    }
    %mul3A_43 = arith.constant 625 : i32
    %mul3A_44 = arith.muli %arg1, %mul3A_43 : i32
    "tpu.region"() ({
      %run_scoped3A = tpu.sem_alloc : memref<!tpu.dma_semaphore, #tpu.memory_space<semaphore_mem>>
      %dma_start3A_277 = arith.constant 0 : i32
      %dma_start3A_278 = tpu.memref_slice %arg6[%mul3A_44, %dma_start3A_277] : memref<10000x64xf32, #tpu.memory_space<vmem_shared>> -> memref<625x64xf32, #tpu.memory_space<vmem_shared>>
      tpu.enqueue_dma source(%arg4 : memref<625x64xf32, #tpu.memory_space<hbm>>) target(%dma_start3A_278 : memref<625x64xf32, #tpu.memory_space<vmem_shared>>) target_semaphore(%run_scoped3A : memref<!tpu.dma_semaphore, #tpu.memory_space<semaphore_mem>>)
      %dma_wait3A_279 = arith.constant 0 : i32
      %dma_wait3A_280 = tpu.memref_slice %arg6[%mul3A_44, %dma_wait3A_279] : memref<10000x64xf32, #tpu.memory_space<vmem_shared>> -> memref<625x64xf32, #tpu.memory_space<vmem_shared>>
      tpu.wait_dma2 semaphore(%run_scoped3A : memref<!tpu.dma_semaphore, #tpu.memory_space<semaphore_mem>>) src(%arg4 : memref<625x64xf32, #tpu.memory_space<hbm>>) dst(%dma_wait3A_280 : memref<625x64xf32, #tpu.memory_space<vmem_shared>>)
      tpu.yield
    }) : () -> ()
    %barrier3A = arith.constant 0 : index
    tpu.barrier barrier_id(%barrier3A)
    %scan3A = arith.constant 0 : i32
    %scan3A_45 = arith.constant 0 : i32
    %scan3A_46 = arith.constant 19 : i32
    %scan3A_47 = arith.addi %scan3A_45, %scan3A_46 : i32
    %scan3A_48 = arith.constant 1 : i32
    scf.for %scan3A_277 = %scan3A_45 to %scan3A_47 step %scan3A_48  : i32 {
      %mul3A_278 = arith.constant 4 : i32
      %mul3A_279 = arith.muli %scan3A_277, %mul3A_278 : i32
      %add3A_280 = arith.constant 0 : i32
      %add3A_281 = arith.addi %mul3A_279, %add3A_280 : i32
      %dma_wait3A_282 = arith.constant 0 : i32
      %dma_wait3A_283 = arith.constant 0 : i32
      %dma_wait3A_284 = arith.constant 0 : i32
      %dma_wait3A_285 = arith.constant 0 : i32
      %dma_wait3A_286 = tpu.memref_slice %arg7[%dma_wait3A_282, %dma_wait3A_284, %dma_wait3A_285] : memref<4x256x64xf32, #tpu.memory_space<vmem>> -> memref<1x256x64xf32, #tpu.memory_space<vmem>>
      %dma_wait3A_287 = tpu.memref_squeeze %dma_wait3A_286 : memref<1x256x64xf32, #tpu.memory_space<vmem>> -> memref<256x64xf32, #tpu.memory_space<vmem>>
      %dma_wait3A_288 = arith.constant 0 : i32
      %dma_wait3A_289 = arith.constant 0 : i32
      %dma_wait3A_290 = tpu.memref_slice %arg2[%dma_wait3A_288, %dma_wait3A_289] : memref<320000x128xf32, #tpu.memory_space<hbm>> -> memref<256x64xf32, #tpu.memory_space<hbm>>
      %dma_wait3A_291 = tpu.memref_slice %arg9[%dma_wait3A_283] : memref<4x!tpu.dma_semaphore, #tpu.memory_space<semaphore_mem>> -> memref<1x!tpu.dma_semaphore, #tpu.memory_space<semaphore_mem>>
      %dma_wait3A_292 = tpu.memref_squeeze %dma_wait3A_291 : memref<1x!tpu.dma_semaphore, #tpu.memory_space<semaphore_mem>> -> memref<!tpu.dma_semaphore, #tpu.memory_space<semaphore_mem>>
      %dma_wait3A_293 = arith.constant 0 : i32
      %dma_wait3A_294 = arith.constant 0 : i32
      %dma_wait3A_295 = tpu.memref_slice %arg7[%dma_wait3A_282, %dma_wait3A_293, %dma_wait3A_294] : memref<4x256x64xf32, #tpu.memory_space<vmem>> -> memref<1x256x64xf32, #tpu.memory_space<vmem>>
      %dma_wait3A_296 = tpu.memref_squeeze %dma_wait3A_295 : memref<1x256x64xf32, #tpu.memory_space<vmem>> -> memref<256x64xf32, #tpu.memory_space<vmem>>
      %dma_wait3A_297 = arith.constant 0 : i32
      %dma_wait3A_298 = arith.constant 0 : i32
      %dma_wait3A_299 = tpu.memref_slice %arg2[%dma_wait3A_297, %dma_wait3A_298] : memref<320000x128xf32, #tpu.memory_space<hbm>> -> memref<256x64xf32, #tpu.memory_space<hbm>>
      tpu.wait_dma2 semaphore(%dma_wait3A_292 : memref<!tpu.dma_semaphore, #tpu.memory_space<semaphore_mem>>) src(%dma_wait3A_299 : memref<256x64xf32, #tpu.memory_space<hbm>>) dst(%dma_wait3A_296 : memref<256x64xf32, #tpu.memory_space<vmem>>)
      %mul3A_300 = arith.constant 2 : i32
      %mul3A_301 = arith.muli %add3A_281, %mul3A_300 : i32
      %add3A_302 = arith.constant 0 : i32
      %add3A_303 = arith.addi %mul3A_301, %add3A_302 : i32
      %dma_start3A_304 = arith.constant 0 : i32
      %dma_start3A_305 = arith.constant 0 : i32
      %dma_start3A_306 = arith.constant 0 : i32
      %dma_start3A_307 = arith.constant 0 : i32
      %dma_start3A_308 = tpu.memref_slice %arg7[%dma_start3A_304, %dma_start3A_306, %dma_start3A_307] : memref<4x256x64xf32, #tpu.memory_space<vmem>> -> memref<1x128x64xf32, #tpu.memory_space<vmem>>
      %dma_start3A_309 = tpu.memref_squeeze %dma_start3A_308 : memref<1x128x64xf32, #tpu.memory_space<vmem>> -> memref<128x64xf32, #tpu.memory_space<vmem>>
      %dma_start3A_310 = arith.constant 0 : i32
      %dma_start3A_311 = tpu.memref_slice %arg8[%add3A_303, %dma_start3A_310] : memref<157x128xi32, #tpu.memory_space<vmem>> -> memref<1x128xi32, #tpu.memory_space<vmem>>
      %dma_start3A_312 = tpu.memref_squeeze %dma_start3A_311 : memref<1x128xi32, #tpu.memory_space<vmem>> -> memref<128xi32, #tpu.memory_space<vmem>>
      %dma_start3A_313 = arith.constant 0 : i32
      %dma_start3A_314 = arith.constant 0 : i32
      %dma_start3A_315 = tpu.memref_slice %arg6[%dma_start3A_313, %dma_start3A_314] : memref<10000x64xf32, #tpu.memory_space<vmem_shared>> -> memref<10000x64xf32, #tpu.memory_space<vmem_shared>>
      %dma_start3A_316 = tpu.memref_slice %arg10[%dma_start3A_305] : memref<4x!tpu.dma_semaphore, #tpu.memory_space<semaphore_mem>> -> memref<1x!tpu.dma_semaphore, #tpu.memory_space<semaphore_mem>>
      %dma_start3A_317 = tpu.memref_squeeze %dma_start3A_316 : memref<1x!tpu.dma_semaphore, #tpu.memory_space<semaphore_mem>> -> memref<!tpu.dma_semaphore, #tpu.memory_space<semaphore_mem>>
      tpu.enqueue_indirect_dma source(%dma_start3A_309 : memref<128x64xf32, #tpu.memory_space<vmem>>) target(%dma_start3A_315 : memref<10000x64xf32, #tpu.memory_space<vmem_shared>>) offsets(%dma_start3A_312 : memref<128xi32, #tpu.memory_space<vmem>>) semaphore(%dma_start3A_317 : memref<!tpu.dma_semaphore, #tpu.memory_space<semaphore_mem>>) {add = true}
      %mul3A_318 = arith.constant 2 : i32
      %mul3A_319 = arith.muli %add3A_281, %mul3A_318 : i32
      %add3A_320 = arith.constant 1 : i32
      %add3A_321 = arith.addi %mul3A_319, %add3A_320 : i32
      %dma_start3A_322 = arith.constant 0 : i32
      %dma_start3A_323 = arith.constant 0 : i32
      %dma_start3A_324 = arith.constant 128 : i32
      %dma_start3A_325 = arith.constant 0 : i32
      %dma_start3A_326 = tpu.memref_slice %arg7[%dma_start3A_322, %dma_start3A_324, %dma_start3A_325] : memref<4x256x64xf32, #tpu.memory_space<vmem>> -> memref<1x128x64xf32, #tpu.memory_space<vmem>>
      %dma_start3A_327 = tpu.memref_squeeze %dma_start3A_326 : memref<1x128x64xf32, #tpu.memory_space<vmem>> -> memref<128x64xf32, #tpu.memory_space<vmem>>
      %dma_start3A_328 = arith.constant 0 : i32
      %dma_start3A_329 = tpu.memref_slice %arg8[%add3A_321, %dma_start3A_328] : memref<157x128xi32, #tpu.memory_space<vmem>> -> memref<1x128xi32, #tpu.memory_space<vmem>>
      %dma_start3A_330 = tpu.memref_squeeze %dma_start3A_329 : memref<1x128xi32, #tpu.memory_space<vmem>> -> memref<128xi32, #tpu.memory_space<vmem>>
      %dma_start3A_331 = arith.constant 0 : i32
      %dma_start3A_332 = arith.constant 0 : i32
      %dma_start3A_333 = tpu.memref_slice %arg6[%dma_start3A_331, %dma_start3A_332] : memref<10000x64xf32, #tpu.memory_space<vmem_shared>> -> memref<10000x64xf32, #tpu.memory_space<vmem_shared>>
      %dma_start3A_334 = tpu.memref_slice %arg10[%dma_start3A_323] : memref<4x!tpu.dma_semaphore, #tpu.memory_space<semaphore_mem>> -> memref<1x!tpu.dma_semaphore, #tpu.memory_space<semaphore_mem>>
      %dma_start3A_335 = tpu.memref_squeeze %dma_start3A_334 : memref<1x!tpu.dma_semaphore, #tpu.memory_space<semaphore_mem>> -> memref<!tpu.dma_semaphore, #tpu.memory_space<semaphore_mem>>
      tpu.enqueue_indirect_dma source(%dma_start3A_327 : memref<128x64xf32, #tpu.memory_space<vmem>>) target(%dma_start3A_333 : memref<10000x64xf32, #tpu.memory_space<vmem_shared>>) offsets(%dma_start3A_330 : memref<128xi32, #tpu.memory_space<vmem>>) semaphore(%dma_start3A_335 : memref<!tpu.dma_semaphore, #tpu.memory_space<semaphore_mem>>) {add = true}
      %ge3A = arith.constant 2 : i32
      %ge3A_336 = arith.cmpi sge, %add3A_281, %ge3A : i32
      %convert_element_type3A_337 = arith.extui %ge3A_336 : i1 to i32
      %cond3A_338 = arith.constant 0 : i32
      %cond3A_339 = arith.cmpi ne, %convert_element_type3A_337, %cond3A_338 : i32
      scf.if %cond3A_339 {
        %dma_wait3A_551 = arith.constant 2 : i32
        %dma_wait3A_552 = arith.constant 0 : i32
        %dma_wait3A_553 = arith.constant 2 : i32
        %dma_wait3A_554 = arith.constant 0 : i32
        %dma_wait3A_555 = arith.constant 0 : i32
        %dma_wait3A_556 = tpu.memref_slice %arg7[%dma_wait3A_551, %dma_wait3A_554, %dma_wait3A_555] : memref<4x256x64xf32, #tpu.memory_space<vmem>> -> memref<1x128x64xf32, #tpu.memory_space<vmem>>
        %dma_wait3A_557 = tpu.memref_squeeze %dma_wait3A_556 : memref<1x128x64xf32, #tpu.memory_space<vmem>> -> memref<128x64xf32, #tpu.memory_space<vmem>>
        %dma_wait3A_558 = arith.constant 0 : i32
        %dma_wait3A_559 = tpu.memref_slice %arg8[%dma_wait3A_552, %dma_wait3A_558] : memref<157x128xi32, #tpu.memory_space<vmem>> -> memref<1x128xi32, #tpu.memory_space<vmem>>
        %dma_wait3A_560 = tpu.memref_squeeze %dma_wait3A_559 : memref<1x128xi32, #tpu.memory_space<vmem>> -> memref<128xi32, #tpu.memory_space<vmem>>
        %dma_wait3A_561 = arith.constant 0 : i32
        %dma_wait3A_562 = arith.constant 0 : i32
        %dma_wait3A_563 = tpu.memref_slice %arg6[%dma_wait3A_561, %dma_wait3A_562] : memref<10000x64xf32, #tpu.memory_space<vmem_shared>> -> memref<10000x64xf32, #tpu.memory_space<vmem_shared>>
        %dma_wait3A_564 = tpu.memref_slice %arg10[%dma_wait3A_553] : memref<4x!tpu.dma_semaphore, #tpu.memory_space<semaphore_mem>> -> memref<1x!tpu.dma_semaphore, #tpu.memory_space<semaphore_mem>>
        %dma_wait3A_565 = tpu.memref_squeeze %dma_wait3A_564 : memref<1x!tpu.dma_semaphore, #tpu.memory_space<semaphore_mem>> -> memref<!tpu.dma_semaphore, #tpu.memory_space<semaphore_mem>>
        tpu.wait_indirect_dma semaphore(%dma_wait3A_565 : memref<!tpu.dma_semaphore, #tpu.memory_space<semaphore_mem>>) src(%dma_wait3A_557 : memref<128x64xf32, #tpu.memory_space<vmem>>) dst(%dma_wait3A_563 : memref<10000x64xf32, #tpu.memory_space<vmem_shared>>)
        %dma_wait3A_566 = arith.constant 2 : i32
        %dma_wait3A_567 = arith.constant 0 : i32
        %dma_wait3A_568 = arith.constant 2 : i32
        %dma_wait3A_569 = arith.constant 128 : i32
        %dma_wait3A_570 = arith.constant 0 : i32
        %dma_wait3A_571 = tpu.memref_slice %arg7[%dma_wait3A_566, %dma_wait3A_569, %dma_wait3A_570] : memref<4x256x64xf32, #tpu.memory_space<vmem>> -> memref<1x128x64xf32, #tpu.memory_space<vmem>>
        %dma_wait3A_572 = tpu.memref_squeeze %dma_wait3A_571 : memref<1x128x64xf32, #tpu.memory_space<vmem>> -> memref<128x64xf32, #tpu.memory_space<vmem>>
        %dma_wait3A_573 = arith.constant 0 : i32
        %dma_wait3A_574 = tpu.memref_slice %arg8[%dma_wait3A_567, %dma_wait3A_573] : memref<157x128xi32, #tpu.memory_space<vmem>> -> memref<1x128xi32, #tpu.memory_space<vmem>>
        %dma_wait3A_575 = tpu.memref_squeeze %dma_wait3A_574 : memref<1x128xi32, #tpu.memory_space<vmem>> -> memref<128xi32, #tpu.memory_space<vmem>>
        %dma_wait3A_576 = arith.constant 0 : i32
        %dma_wait3A_577 = arith.constant 0 : i32
        %dma_wait3A_578 = tpu.memref_slice %arg6[%dma_wait3A_576, %dma_wait3A_577] : memref<10000x64xf32, #tpu.memory_space<vmem_shared>> -> memref<10000x64xf32, #tpu.memory_space<vmem_shared>>
        %dma_wait3A_579 = tpu.memref_slice %arg10[%dma_wait3A_568] : memref<4x!tpu.dma_semaphore, #tpu.memory_space<semaphore_mem>> -> memref<1x!tpu.dma_semaphore, #tpu.memory_space<semaphore_mem>>
        %dma_wait3A_580 = tpu.memref_squeeze %dma_wait3A_579 : memref<1x!tpu.dma_semaphore, #tpu.memory_space<semaphore_mem>> -> memref<!tpu.dma_semaphore, #tpu.memory_space<semaphore_mem>>
        tpu.wait_indirect_dma semaphore(%dma_wait3A_580 : memref<!tpu.dma_semaphore, #tpu.memory_space<semaphore_mem>>) src(%dma_wait3A_572 : memref<128x64xf32, #tpu.memory_space<vmem>>) dst(%dma_wait3A_578 : memref<10000x64xf32, #tpu.memory_space<vmem_shared>>)
      } else {
      }
      %add3A_340 = arith.constant 2 : i32
      %add3A_341 = arith.addi %add3A_281, %add3A_340 : i32
      %lt3A_342 = arith.constant 78 : i32
      %lt3A_343 = arith.cmpi slt, %add3A_341, %lt3A_342 : i32
      %convert_element_type3A_344 = arith.extui %lt3A_343 : i1 to i32
      %cond3A_345 = arith.constant 0 : i32
      %cond3A_346 = arith.cmpi ne, %convert_element_type3A_344, %cond3A_345 : i32
      scf.if %cond3A_346 {
        %add3A_551 = arith.constant 2 : i32
        %add3A_552 = arith.addi %add3A_281, %add3A_551 : i32
        %mul3A_553 = arith.constant 2 : i32
        %mul3A_554 = arith.muli %add3A_552, %mul3A_553 : i32
        %add3A_555 = arith.addi %add3A, %mul3A_554 : i32
        %mul3A_556 = arith.constant 128 : i32
        %mul3A_557 = arith.muli %add3A_555, %mul3A_556 : i32
        %mul3A_558 = arith.constant 64 : i32
        %mul3A_559 = arith.muli %arg0, %mul3A_558 : i32
        %dma_start3A_560 = arith.constant 2 : i32
        %dma_start3A_561 = arith.constant 2 : i32
        %dma_start3A_562 = arith.constant 0 : i32
        %dma_start3A_563 = arith.constant 0 : i32
        %dma_start3A_564 = tpu.memref_slice %arg7[%dma_start3A_560, %dma_start3A_562, %dma_start3A_563] : memref<4x256x64xf32, #tpu.memory_space<vmem>> -> memref<1x256x64xf32, #tpu.memory_space<vmem>>
        %dma_start3A_565 = tpu.memref_squeeze %dma_start3A_564 : memref<1x256x64xf32, #tpu.memory_space<vmem>> -> memref<256x64xf32, #tpu.memory_space<vmem>>
        %dma_start3A_566 = tpu.memref_slice %arg2[%mul3A_557, %mul3A_559] : memref<320000x128xf32, #tpu.memory_space<hbm>> -> memref<256x64xf32, #tpu.memory_space<hbm>>
        %dma_start3A_567 = tpu.memref_slice %arg9[%dma_start3A_561] : memref<4x!tpu.dma_semaphore, #tpu.memory_space<semaphore_mem>> -> memref<1x!tpu.dma_semaphore, #tpu.memory_space<semaphore_mem>>
        %dma_start3A_568 = tpu.memref_squeeze %dma_start3A_567 : memref<1x!tpu.dma_semaphore, #tpu.memory_space<semaphore_mem>> -> memref<!tpu.dma_semaphore, #tpu.memory_space<semaphore_mem>>
        %dma_start3A_569 = arith.constant 0 : i32
        %dma_start3A_570 = arith.constant 0 : i32
        %dma_start3A_571 = tpu.memref_slice %arg7[%dma_start3A_560, %dma_start3A_569, %dma_start3A_570] : memref<4x256x64xf32, #tpu.memory_space<vmem>> -> memref<1x256x64xf32, #tpu.memory_space<vmem>>
        %dma_start3A_572 = tpu.memref_squeeze %dma_start3A_571 : memref<1x256x64xf32, #tpu.memory_space<vmem>> -> memref<256x64xf32, #tpu.memory_space<vmem>>
        %dma_start3A_573 = tpu.memref_slice %arg2[%mul3A_557, %mul3A_559] : memref<320000x128xf32, #tpu.memory_space<hbm>> -> memref<256x64xf32, #tpu.memory_space<hbm>>
        tpu.enqueue_dma source(%dma_start3A_573 : memref<256x64xf32, #tpu.memory_space<hbm>>) target(%dma_start3A_572 : memref<256x64xf32, #tpu.memory_space<vmem>>) target_semaphore(%dma_start3A_568 : memref<!tpu.dma_semaphore, #tpu.memory_space<semaphore_mem>>)
      } else {
      }
      %add3A_347 = arith.constant 1 : i32
      %add3A_348 = arith.addi %mul3A_279, %add3A_347 : i32
      %dma_wait3A_349 = arith.constant 1 : i32
      %dma_wait3A_350 = arith.constant 1 : i32
      %dma_wait3A_351 = arith.constant 0 : i32
      %dma_wait3A_352 = arith.constant 0 : i32
      %dma_wait3A_353 = tpu.memref_slice %arg7[%dma_wait3A_349, %dma_wait3A_351, %dma_wait3A_352] : memref<4x256x64xf32, #tpu.memory_space<vmem>> -> memref<1x256x64xf32, #tpu.memory_space<vmem>>
      %dma_wait3A_354 = tpu.memref_squeeze %dma_wait3A_353 : memref<1x256x64xf32, #tpu.memory_space<vmem>> -> memref<256x64xf32, #tpu.memory_space<vmem>>
      %dma_wait3A_355 = arith.constant 0 : i32
      %dma_wait3A_356 = arith.constant 0 : i32
      %dma_wait3A_357 = tpu.memref_slice %arg2[%dma_wait3A_355, %dma_wait3A_356] : memref<320000x128xf32, #tpu.memory_space<hbm>> -> memref<256x64xf32, #tpu.memory_space<hbm>>
      %dma_wait3A_358 = tpu.memref_slice %arg9[%dma_wait3A_350] : memref<4x!tpu.dma_semaphore, #tpu.memory_space<semaphore_mem>> -> memref<1x!tpu.dma_semaphore, #tpu.memory_space<semaphore_mem>>
      %dma_wait3A_359 = tpu.memref_squeeze %dma_wait3A_358 : memref<1x!tpu.dma_semaphore, #tpu.memory_space<semaphore_mem>> -> memref<!tpu.dma_semaphore, #tpu.memory_space<semaphore_mem>>
      %dma_wait3A_360 = arith.constant 0 : i32
      %dma_wait3A_361 = arith.constant 0 : i32
      %dma_wait3A_362 = tpu.memref_slice %arg7[%dma_wait3A_349, %dma_wait3A_360, %dma_wait3A_361] : memref<4x256x64xf32, #tpu.memory_space<vmem>> -> memref<1x256x64xf32, #tpu.memory_space<vmem>>
      %dma_wait3A_363 = tpu.memref_squeeze %dma_wait3A_362 : memref<1x256x64xf32, #tpu.memory_space<vmem>> -> memref<256x64xf32, #tpu.memory_space<vmem>>
      %dma_wait3A_364 = arith.constant 0 : i32
      %dma_wait3A_365 = arith.constant 0 : i32
      %dma_wait3A_366 = tpu.memref_slice %arg2[%dma_wait3A_364, %dma_wait3A_365] : memref<320000x128xf32, #tpu.memory_space<hbm>> -> memref<256x64xf32, #tpu.memory_space<hbm>>
      tpu.wait_dma2 semaphore(%dma_wait3A_359 : memref<!tpu.dma_semaphore, #tpu.memory_space<semaphore_mem>>) src(%dma_wait3A_366 : memref<256x64xf32, #tpu.memory_space<hbm>>) dst(%dma_wait3A_363 : memref<256x64xf32, #tpu.memory_space<vmem>>)
      %mul3A_367 = arith.constant 2 : i32
      %mul3A_368 = arith.muli %add3A_348, %mul3A_367 : i32
      %add3A_369 = arith.constant 0 : i32
      %add3A_370 = arith.addi %mul3A_368, %add3A_369 : i32
      %dma_start3A_371 = arith.constant 1 : i32
      %dma_start3A_372 = arith.constant 1 : i32
      %dma_start3A_373 = arith.constant 0 : i32
      %dma_start3A_374 = arith.constant 0 : i32
      %dma_start3A_375 = tpu.memref_slice %arg7[%dma_start3A_371, %dma_start3A_373, %dma_start3A_374] : memref<4x256x64xf32, #tpu.memory_space<vmem>> -> memref<1x128x64xf32, #tpu.memory_space<vmem>>
      %dma_start3A_376 = tpu.memref_squeeze %dma_start3A_375 : memref<1x128x64xf32, #tpu.memory_space<vmem>> -> memref<128x64xf32, #tpu.memory_space<vmem>>
      %dma_start3A_377 = arith.constant 0 : i32
      %dma_start3A_378 = tpu.memref_slice %arg8[%add3A_370, %dma_start3A_377] : memref<157x128xi32, #tpu.memory_space<vmem>> -> memref<1x128xi32, #tpu.memory_space<vmem>>
      %dma_start3A_379 = tpu.memref_squeeze %dma_start3A_378 : memref<1x128xi32, #tpu.memory_space<vmem>> -> memref<128xi32, #tpu.memory_space<vmem>>
      %dma_start3A_380 = arith.constant 0 : i32
      %dma_start3A_381 = arith.constant 0 : i32
      %dma_start3A_382 = tpu.memref_slice %arg6[%dma_start3A_380, %dma_start3A_381] : memref<10000x64xf32, #tpu.memory_space<vmem_shared>> -> memref<10000x64xf32, #tpu.memory_space<vmem_shared>>
      %dma_start3A_383 = tpu.memref_slice %arg10[%dma_start3A_372] : memref<4x!tpu.dma_semaphore, #tpu.memory_space<semaphore_mem>> -> memref<1x!tpu.dma_semaphore, #tpu.memory_space<semaphore_mem>>
      %dma_start3A_384 = tpu.memref_squeeze %dma_start3A_383 : memref<1x!tpu.dma_semaphore, #tpu.memory_space<semaphore_mem>> -> memref<!tpu.dma_semaphore, #tpu.memory_space<semaphore_mem>>
      tpu.enqueue_indirect_dma source(%dma_start3A_376 : memref<128x64xf32, #tpu.memory_space<vmem>>) target(%dma_start3A_382 : memref<10000x64xf32, #tpu.memory_space<vmem_shared>>) offsets(%dma_start3A_379 : memref<128xi32, #tpu.memory_space<vmem>>) semaphore(%dma_start3A_384 : memref<!tpu.dma_semaphore, #tpu.memory_space<semaphore_mem>>) {add = true}
      %mul3A_385 = arith.constant 2 : i32
      %mul3A_386 = arith.muli %add3A_348, %mul3A_385 : i32
      %add3A_387 = arith.constant 1 : i32
      %add3A_388 = arith.addi %mul3A_386, %add3A_387 : i32
      %dma_start3A_389 = arith.constant 1 : i32
      %dma_start3A_390 = arith.constant 1 : i32
      %dma_start3A_391 = arith.constant 128 : i32
      %dma_start3A_392 = arith.constant 0 : i32
      %dma_start3A_393 = tpu.memref_slice %arg7[%dma_start3A_389, %dma_start3A_391, %dma_start3A_392] : memref<4x256x64xf32, #tpu.memory_space<vmem>> -> memref<1x128x64xf32, #tpu.memory_space<vmem>>
      %dma_start3A_394 = tpu.memref_squeeze %dma_start3A_393 : memref<1x128x64xf32, #tpu.memory_space<vmem>> -> memref<128x64xf32, #tpu.memory_space<vmem>>
      %dma_start3A_395 = arith.constant 0 : i32
      %dma_start3A_396 = tpu.memref_slice %arg8[%add3A_388, %dma_start3A_395] : memref<157x128xi32, #tpu.memory_space<vmem>> -> memref<1x128xi32, #tpu.memory_space<vmem>>
      %dma_start3A_397 = tpu.memref_squeeze %dma_start3A_396 : memref<1x128xi32, #tpu.memory_space<vmem>> -> memref<128xi32, #tpu.memory_space<vmem>>
      %dma_start3A_398 = arith.constant 0 : i32
      %dma_start3A_399 = arith.constant 0 : i32
      %dma_start3A_400 = tpu.memref_slice %arg6[%dma_start3A_398, %dma_start3A_399] : memref<10000x64xf32, #tpu.memory_space<vmem_shared>> -> memref<10000x64xf32, #tpu.memory_space<vmem_shared>>
      %dma_start3A_401 = tpu.memref_slice %arg10[%dma_start3A_390] : memref<4x!tpu.dma_semaphore, #tpu.memory_space<semaphore_mem>> -> memref<1x!tpu.dma_semaphore, #tpu.memory_space<semaphore_mem>>
      %dma_start3A_402 = tpu.memref_squeeze %dma_start3A_401 : memref<1x!tpu.dma_semaphore, #tpu.memory_space<semaphore_mem>> -> memref<!tpu.dma_semaphore, #tpu.memory_space<semaphore_mem>>
      tpu.enqueue_indirect_dma source(%dma_start3A_394 : memref<128x64xf32, #tpu.memory_space<vmem>>) target(%dma_start3A_400 : memref<10000x64xf32, #tpu.memory_space<vmem_shared>>) offsets(%dma_start3A_397 : memref<128xi32, #tpu.memory_space<vmem>>) semaphore(%dma_start3A_402 : memref<!tpu.dma_semaphore, #tpu.memory_space<semaphore_mem>>) {add = true}
      %ge3A_403 = arith.constant 2 : i32
      %ge3A_404 = arith.cmpi sge, %add3A_348, %ge3A_403 : i32
      %convert_element_type3A_405 = arith.extui %ge3A_404 : i1 to i32
      %cond3A_406 = arith.constant 0 : i32
      %cond3A_407 = arith.cmpi ne, %convert_element_type3A_405, %cond3A_406 : i32
      scf.if %cond3A_407 {
        %dma_wait3A_551 = arith.constant 3 : i32
        %dma_wait3A_552 = arith.constant 0 : i32
        %dma_wait3A_553 = arith.constant 3 : i32
        %dma_wait3A_554 = arith.constant 0 : i32
        %dma_wait3A_555 = arith.constant 0 : i32
        %dma_wait3A_556 = tpu.memref_slice %arg7[%dma_wait3A_551, %dma_wait3A_554, %dma_wait3A_555] : memref<4x256x64xf32, #tpu.memory_space<vmem>> -> memref<1x128x64xf32, #tpu.memory_space<vmem>>
        %dma_wait3A_557 = tpu.memref_squeeze %dma_wait3A_556 : memref<1x128x64xf32, #tpu.memory_space<vmem>> -> memref<128x64xf32, #tpu.memory_space<vmem>>
        %dma_wait3A_558 = arith.constant 0 : i32
        %dma_wait3A_559 = tpu.memref_slice %arg8[%dma_wait3A_552, %dma_wait3A_558] : memref<157x128xi32, #tpu.memory_space<vmem>> -> memref<1x128xi32, #tpu.memory_space<vmem>>
        %dma_wait3A_560 = tpu.memref_squeeze %dma_wait3A_559 : memref<1x128xi32, #tpu.memory_space<vmem>> -> memref<128xi32, #tpu.memory_space<vmem>>
        %dma_wait3A_561 = arith.constant 0 : i32
        %dma_wait3A_562 = arith.constant 0 : i32
        %dma_wait3A_563 = tpu.memref_slice %arg6[%dma_wait3A_561, %dma_wait3A_562] : memref<10000x64xf32, #tpu.memory_space<vmem_shared>> -> memref<10000x64xf32, #tpu.memory_space<vmem_shared>>
        %dma_wait3A_564 = tpu.memref_slice %arg10[%dma_wait3A_553] : memref<4x!tpu.dma_semaphore, #tpu.memory_space<semaphore_mem>> -> memref<1x!tpu.dma_semaphore, #tpu.memory_space<semaphore_mem>>
        %dma_wait3A_565 = tpu.memref_squeeze %dma_wait3A_564 : memref<1x!tpu.dma_semaphore, #tpu.memory_space<semaphore_mem>> -> memref<!tpu.dma_semaphore, #tpu.memory_space<semaphore_mem>>
        tpu.wait_indirect_dma semaphore(%dma_wait3A_565 : memref<!tpu.dma_semaphore, #tpu.memory_space<semaphore_mem>>) src(%dma_wait3A_557 : memref<128x64xf32, #tpu.memory_space<vmem>>) dst(%dma_wait3A_563 : memref<10000x64xf32, #tpu.memory_space<vmem_shared>>)
        %dma_wait3A_566 = arith.constant 3 : i32
        %dma_wait3A_567 = arith.constant 0 : i32
        %dma_wait3A_568 = arith.constant 3 : i32
        %dma_wait3A_569 = arith.constant 128 : i32
        %dma_wait3A_570 = arith.constant 0 : i32
        %dma_wait3A_571 = tpu.memref_slice %arg7[%dma_wait3A_566, %dma_wait3A_569, %dma_wait3A_570] : memref<4x256x64xf32, #tpu.memory_space<vmem>> -> memref<1x128x64xf32, #tpu.memory_space<vmem>>
        %dma_wait3A_572 = tpu.memref_squeeze %dma_wait3A_571 : memref<1x128x64xf32, #tpu.memory_space<vmem>> -> memref<128x64xf32, #tpu.memory_space<vmem>>
        %dma_wait3A_573 = arith.constant 0 : i32
        %dma_wait3A_574 = tpu.memref_slice %arg8[%dma_wait3A_567, %dma_wait3A_573] : memref<157x128xi32, #tpu.memory_space<vmem>> -> memref<1x128xi32, #tpu.memory_space<vmem>>
        %dma_wait3A_575 = tpu.memref_squeeze %dma_wait3A_574 : memref<1x128xi32, #tpu.memory_space<vmem>> -> memref<128xi32, #tpu.memory_space<vmem>>
        %dma_wait3A_576 = arith.constant 0 : i32
        %dma_wait3A_577 = arith.constant 0 : i32
        %dma_wait3A_578 = tpu.memref_slice %arg6[%dma_wait3A_576, %dma_wait3A_577] : memref<10000x64xf32, #tpu.memory_space<vmem_shared>> -> memref<10000x64xf32, #tpu.memory_space<vmem_shared>>
        %dma_wait3A_579 = tpu.memref_slice %arg10[%dma_wait3A_568] : memref<4x!tpu.dma_semaphore, #tpu.memory_space<semaphore_mem>> -> memref<1x!tpu.dma_semaphore, #tpu.memory_space<semaphore_mem>>
        %dma_wait3A_580 = tpu.memref_squeeze %dma_wait3A_579 : memref<1x!tpu.dma_semaphore, #tpu.memory_space<semaphore_mem>> -> memref<!tpu.dma_semaphore, #tpu.memory_space<semaphore_mem>>
        tpu.wait_indirect_dma semaphore(%dma_wait3A_580 : memref<!tpu.dma_semaphore, #tpu.memory_space<semaphore_mem>>) src(%dma_wait3A_572 : memref<128x64xf32, #tpu.memory_space<vmem>>) dst(%dma_wait3A_578 : memref<10000x64xf32, #tpu.memory_space<vmem_shared>>)
      } else {
      }
      %add3A_408 = arith.constant 2 : i32
      %add3A_409 = arith.addi %add3A_348, %add3A_408 : i32
      %lt3A_410 = arith.constant 78 : i32
      %lt3A_411 = arith.cmpi slt, %add3A_409, %lt3A_410 : i32
      %convert_element_type3A_412 = arith.extui %lt3A_411 : i1 to i32
      %cond3A_413 = arith.constant 0 : i32
      %cond3A_414 = arith.cmpi ne, %convert_element_type3A_412, %cond3A_413 : i32
      scf.if %cond3A_414 {
        %add3A_551 = arith.constant 2 : i32
        %add3A_552 = arith.addi %add3A_348, %add3A_551 : i32
        %mul3A_553 = arith.constant 2 : i32
        %mul3A_554 = arith.muli %add3A_552, %mul3A_553 : i32
        %add3A_555 = arith.addi %add3A, %mul3A_554 : i32
        %mul3A_556 = arith.constant 128 : i32
        %mul3A_557 = arith.muli %add3A_555, %mul3A_556 : i32
        %mul3A_558 = arith.constant 64 : i32
        %mul3A_559 = arith.muli %arg0, %mul3A_558 : i32
        %dma_start3A_560 = arith.constant 3 : i32
        %dma_start3A_561 = arith.constant 3 : i32
        %dma_start3A_562 = arith.constant 0 : i32
        %dma_start3A_563 = arith.constant 0 : i32
        %dma_start3A_564 = tpu.memref_slice %arg7[%dma_start3A_560, %dma_start3A_562, %dma_start3A_563] : memref<4x256x64xf32, #tpu.memory_space<vmem>> -> memref<1x256x64xf32, #tpu.memory_space<vmem>>
        %dma_start3A_565 = tpu.memref_squeeze %dma_start3A_564 : memref<1x256x64xf32, #tpu.memory_space<vmem>> -> memref<256x64xf32, #tpu.memory_space<vmem>>
        %dma_start3A_566 = tpu.memref_slice %arg2[%mul3A_557, %mul3A_559] : memref<320000x128xf32, #tpu.memory_space<hbm>> -> memref<256x64xf32, #tpu.memory_space<hbm>>
        %dma_start3A_567 = tpu.memref_slice %arg9[%dma_start3A_561] : memref<4x!tpu.dma_semaphore, #tpu.memory_space<semaphore_mem>> -> memref<1x!tpu.dma_semaphore, #tpu.memory_space<semaphore_mem>>
        %dma_start3A_568 = tpu.memref_squeeze %dma_start3A_567 : memref<1x!tpu.dma_semaphore, #tpu.memory_space<semaphore_mem>> -> memref<!tpu.dma_semaphore, #tpu.memory_space<semaphore_mem>>
        %dma_start3A_569 = arith.constant 0 : i32
        %dma_start3A_570 = arith.constant 0 : i32
        %dma_start3A_571 = tpu.memref_slice %arg7[%dma_start3A_560, %dma_start3A_569, %dma_start3A_570] : memref<4x256x64xf32, #tpu.memory_space<vmem>> -> memref<1x256x64xf32, #tpu.memory_space<vmem>>
        %dma_start3A_572 = tpu.memref_squeeze %dma_start3A_571 : memref<1x256x64xf32, #tpu.memory_space<vmem>> -> memref<256x64xf32, #tpu.memory_space<vmem>>
        %dma_start3A_573 = tpu.memref_slice %arg2[%mul3A_557, %mul3A_559] : memref<320000x128xf32, #tpu.memory_space<hbm>> -> memref<256x64xf32, #tpu.memory_space<hbm>>
        tpu.enqueue_dma source(%dma_start3A_573 : memref<256x64xf32, #tpu.memory_space<hbm>>) target(%dma_start3A_572 : memref<256x64xf32, #tpu.memory_space<vmem>>) target_semaphore(%dma_start3A_568 : memref<!tpu.dma_semaphore, #tpu.memory_space<semaphore_mem>>)
      } else {
      }
      %add3A_415 = arith.constant 2 : i32
      %add3A_416 = arith.addi %mul3A_279, %add3A_415 : i32
      %dma_wait3A_417 = arith.constant 2 : i32
      %dma_wait3A_418 = arith.constant 2 : i32
      %dma_wait3A_419 = arith.constant 0 : i32
      %dma_wait3A_420 = arith.constant 0 : i32
      %dma_wait3A_421 = tpu.memref_slice %arg7[%dma_wait3A_417, %dma_wait3A_419, %dma_wait3A_420] : memref<4x256x64xf32, #tpu.memory_space<vmem>> -> memref<1x256x64xf32, #tpu.memory_space<vmem>>
      %dma_wait3A_422 = tpu.memref_squeeze %dma_wait3A_421 : memref<1x256x64xf32, #tpu.memory_space<vmem>> -> memref<256x64xf32, #tpu.memory_space<vmem>>
      %dma_wait3A_423 = arith.constant 0 : i32
      %dma_wait3A_424 = arith.constant 0 : i32
      %dma_wait3A_425 = tpu.memref_slice %arg2[%dma_wait3A_423, %dma_wait3A_424] : memref<320000x128xf32, #tpu.memory_space<hbm>> -> memref<256x64xf32, #tpu.memory_space<hbm>>
      %dma_wait3A_426 = tpu.memref_slice %arg9[%dma_wait3A_418] : memref<4x!tpu.dma_semaphore, #tpu.memory_space<semaphore_mem>> -> memref<1x!tpu.dma_semaphore, #tpu.memory_space<semaphore_mem>>
      %dma_wait3A_427 = tpu.memref_squeeze %dma_wait3A_426 : memref<1x!tpu.dma_semaphore, #tpu.memory_space<semaphore_mem>> -> memref<!tpu.dma_semaphore, #tpu.memory_space<semaphore_mem>>
      %dma_wait3A_428 = arith.constant 0 : i32
      %dma_wait3A_429 = arith.constant 0 : i32
      %dma_wait3A_430 = tpu.memref_slice %arg7[%dma_wait3A_417, %dma_wait3A_428, %dma_wait3A_429] : memref<4x256x64xf32, #tpu.memory_space<vmem>> -> memref<1x256x64xf32, #tpu.memory_space<vmem>>
      %dma_wait3A_431 = tpu.memref_squeeze %dma_wait3A_430 : memref<1x256x64xf32, #tpu.memory_space<vmem>> -> memref<256x64xf32, #tpu.memory_space<vmem>>
      %dma_wait3A_432 = arith.constant 0 : i32
      %dma_wait3A_433 = arith.constant 0 : i32
      %dma_wait3A_434 = tpu.memref_slice %arg2[%dma_wait3A_432, %dma_wait3A_433] : memref<320000x128xf32, #tpu.memory_space<hbm>> -> memref<256x64xf32, #tpu.memory_space<hbm>>
      tpu.wait_dma2 semaphore(%dma_wait3A_427 : memref<!tpu.dma_semaphore, #tpu.memory_space<semaphore_mem>>) src(%dma_wait3A_434 : memref<256x64xf32, #tpu.memory_space<hbm>>) dst(%dma_wait3A_431 : memref<256x64xf32, #tpu.memory_space<vmem>>)
      %mul3A_435 = arith.constant 2 : i32
      %mul3A_436 = arith.muli %add3A_416, %mul3A_435 : i32
      %add3A_437 = arith.constant 0 : i32
      %add3A_438 = arith.addi %mul3A_436, %add3A_437 : i32
      %dma_start3A_439 = arith.constant 2 : i32
      %dma_start3A_440 = arith.constant 2 : i32
      %dma_start3A_441 = arith.constant 0 : i32
      %dma_start3A_442 = arith.constant 0 : i32
      %dma_start3A_443 = tpu.memref_slice %arg7[%dma_start3A_439, %dma_start3A_441, %dma_start3A_442] : memref<4x256x64xf32, #tpu.memory_space<vmem>> -> memref<1x128x64xf32, #tpu.memory_space<vmem>>
      %dma_start3A_444 = tpu.memref_squeeze %dma_start3A_443 : memref<1x128x64xf32, #tpu.memory_space<vmem>> -> memref<128x64xf32, #tpu.memory_space<vmem>>
      %dma_start3A_445 = arith.constant 0 : i32
      %dma_start3A_446 = tpu.memref_slice %arg8[%add3A_438, %dma_start3A_445] : memref<157x128xi32, #tpu.memory_space<vmem>> -> memref<1x128xi32, #tpu.memory_space<vmem>>
      %dma_start3A_447 = tpu.memref_squeeze %dma_start3A_446 : memref<1x128xi32, #tpu.memory_space<vmem>> -> memref<128xi32, #tpu.memory_space<vmem>>
      %dma_start3A_448 = arith.constant 0 : i32
      %dma_start3A_449 = arith.constant 0 : i32
      %dma_start3A_450 = tpu.memref_slice %arg6[%dma_start3A_448, %dma_start3A_449] : memref<10000x64xf32, #tpu.memory_space<vmem_shared>> -> memref<10000x64xf32, #tpu.memory_space<vmem_shared>>
      %dma_start3A_451 = tpu.memref_slice %arg10[%dma_start3A_440] : memref<4x!tpu.dma_semaphore, #tpu.memory_space<semaphore_mem>> -> memref<1x!tpu.dma_semaphore, #tpu.memory_space<semaphore_mem>>
      %dma_start3A_452 = tpu.memref_squeeze %dma_start3A_451 : memref<1x!tpu.dma_semaphore, #tpu.memory_space<semaphore_mem>> -> memref<!tpu.dma_semaphore, #tpu.memory_space<semaphore_mem>>
      tpu.enqueue_indirect_dma source(%dma_start3A_444 : memref<128x64xf32, #tpu.memory_space<vmem>>) target(%dma_start3A_450 : memref<10000x64xf32, #tpu.memory_space<vmem_shared>>) offsets(%dma_start3A_447 : memref<128xi32, #tpu.memory_space<vmem>>) semaphore(%dma_start3A_452 : memref<!tpu.dma_semaphore, #tpu.memory_space<semaphore_mem>>) {add = true}
      %mul3A_453 = arith.constant 2 : i32
      %mul3A_454 = arith.muli %add3A_416, %mul3A_453 : i32
      %add3A_455 = arith.constant 1 : i32
      %add3A_456 = arith.addi %mul3A_454, %add3A_455 : i32
      %dma_start3A_457 = arith.constant 2 : i32
      %dma_start3A_458 = arith.constant 2 : i32
      %dma_start3A_459 = arith.constant 128 : i32
      %dma_start3A_460 = arith.constant 0 : i32
      %dma_start3A_461 = tpu.memref_slice %arg7[%dma_start3A_457, %dma_start3A_459, %dma_start3A_460] : memref<4x256x64xf32, #tpu.memory_space<vmem>> -> memref<1x128x64xf32, #tpu.memory_space<vmem>>
      %dma_start3A_462 = tpu.memref_squeeze %dma_start3A_461 : memref<1x128x64xf32, #tpu.memory_space<vmem>> -> memref<128x64xf32, #tpu.memory_space<vmem>>
      %dma_start3A_463 = arith.constant 0 : i32
      %dma_start3A_464 = tpu.memref_slice %arg8[%add3A_456, %dma_start3A_463] : memref<157x128xi32, #tpu.memory_space<vmem>> -> memref<1x128xi32, #tpu.memory_space<vmem>>
      %dma_start3A_465 = tpu.memref_squeeze %dma_start3A_464 : memref<1x128xi32, #tpu.memory_space<vmem>> -> memref<128xi32, #tpu.memory_space<vmem>>
      %dma_start3A_466 = arith.constant 0 : i32
      %dma_start3A_467 = arith.constant 0 : i32
      %dma_start3A_468 = tpu.memref_slice %arg6[%dma_start3A_466, %dma_start3A_467] : memref<10000x64xf32, #tpu.memory_space<vmem_shared>> -> memref<10000x64xf32, #tpu.memory_space<vmem_shared>>
      %dma_start3A_469 = tpu.memref_slice %arg10[%dma_start3A_458] : memref<4x!tpu.dma_semaphore, #tpu.memory_space<semaphore_mem>> -> memref<1x!tpu.dma_semaphore, #tpu.memory_space<semaphore_mem>>
      %dma_start3A_470 = tpu.memref_squeeze %dma_start3A_469 : memref<1x!tpu.dma_semaphore, #tpu.memory_space<semaphore_mem>> -> memref<!tpu.dma_semaphore, #tpu.memory_space<semaphore_mem>>
      tpu.enqueue_indirect_dma source(%dma_start3A_462 : memref<128x64xf32, #tpu.memory_space<vmem>>) target(%dma_start3A_468 : memref<10000x64xf32, #tpu.memory_space<vmem_shared>>) offsets(%dma_start3A_465 : memref<128xi32, #tpu.memory_space<vmem>>) semaphore(%dma_start3A_470 : memref<!tpu.dma_semaphore, #tpu.memory_space<semaphore_mem>>) {add = true}
      %ge3A_471 = arith.constant 2 : i32
      %ge3A_472 = arith.cmpi sge, %add3A_416, %ge3A_471 : i32
      %convert_element_type3A_473 = arith.extui %ge3A_472 : i1 to i32
      %cond3A_474 = arith.constant 0 : i32
      %cond3A_475 = arith.cmpi ne, %convert_element_type3A_473, %cond3A_474 : i32
      scf.if %cond3A_475 {
        %dma_wait3A_551 = arith.constant 0 : i32
        %dma_wait3A_552 = arith.constant 0 : i32
        %dma_wait3A_553 = arith.constant 0 : i32
        %dma_wait3A_554 = arith.constant 0 : i32
        %dma_wait3A_555 = arith.constant 0 : i32
        %dma_wait3A_556 = tpu.memref_slice %arg7[%dma_wait3A_551, %dma_wait3A_554, %dma_wait3A_555] : memref<4x256x64xf32, #tpu.memory_space<vmem>> -> memref<1x128x64xf32, #tpu.memory_space<vmem>>
        %dma_wait3A_557 = tpu.memref_squeeze %dma_wait3A_556 : memref<1x128x64xf32, #tpu.memory_space<vmem>> -> memref<128x64xf32, #tpu.memory_space<vmem>>
        %dma_wait3A_558 = arith.constant 0 : i32
        %dma_wait3A_559 = tpu.memref_slice %arg8[%dma_wait3A_552, %dma_wait3A_558] : memref<157x128xi32, #tpu.memory_space<vmem>> -> memref<1x128xi32, #tpu.memory_space<vmem>>
        %dma_wait3A_560 = tpu.memref_squeeze %dma_wait3A_559 : memref<1x128xi32, #tpu.memory_space<vmem>> -> memref<128xi32, #tpu.memory_space<vmem>>
        %dma_wait3A_561 = arith.constant 0 : i32
        %dma_wait3A_562 = arith.constant 0 : i32
        %dma_wait3A_563 = tpu.memref_slice %arg6[%dma_wait3A_561, %dma_wait3A_562] : memref<10000x64xf32, #tpu.memory_space<vmem_shared>> -> memref<10000x64xf32, #tpu.memory_space<vmem_shared>>
        %dma_wait3A_564 = tpu.memref_slice %arg10[%dma_wait3A_553] : memref<4x!tpu.dma_semaphore, #tpu.memory_space<semaphore_mem>> -> memref<1x!tpu.dma_semaphore, #tpu.memory_space<semaphore_mem>>
        %dma_wait3A_565 = tpu.memref_squeeze %dma_wait3A_564 : memref<1x!tpu.dma_semaphore, #tpu.memory_space<semaphore_mem>> -> memref<!tpu.dma_semaphore, #tpu.memory_space<semaphore_mem>>
        tpu.wait_indirect_dma semaphore(%dma_wait3A_565 : memref<!tpu.dma_semaphore, #tpu.memory_space<semaphore_mem>>) src(%dma_wait3A_557 : memref<128x64xf32, #tpu.memory_space<vmem>>) dst(%dma_wait3A_563 : memref<10000x64xf32, #tpu.memory_space<vmem_shared>>)
        %dma_wait3A_566 = arith.constant 0 : i32
        %dma_wait3A_567 = arith.constant 0 : i32
        %dma_wait3A_568 = arith.constant 0 : i32
        %dma_wait3A_569 = arith.constant 128 : i32
        %dma_wait3A_570 = arith.constant 0 : i32
        %dma_wait3A_571 = tpu.memref_slice %arg7[%dma_wait3A_566, %dma_wait3A_569, %dma_wait3A_570] : memref<4x256x64xf32, #tpu.memory_space<vmem>> -> memref<1x128x64xf32, #tpu.memory_space<vmem>>
        %dma_wait3A_572 = tpu.memref_squeeze %dma_wait3A_571 : memref<1x128x64xf32, #tpu.memory_space<vmem>> -> memref<128x64xf32, #tpu.memory_space<vmem>>
        %dma_wait3A_573 = arith.constant 0 : i32
        %dma_wait3A_574 = tpu.memref_slice %arg8[%dma_wait3A_567, %dma_wait3A_573] : memref<157x128xi32, #tpu.memory_space<vmem>> -> memref<1x128xi32, #tpu.memory_space<vmem>>
        %dma_wait3A_575 = tpu.memref_squeeze %dma_wait3A_574 : memref<1x128xi32, #tpu.memory_space<vmem>> -> memref<128xi32, #tpu.memory_space<vmem>>
        %dma_wait3A_576 = arith.constant 0 : i32
        %dma_wait3A_577 = arith.constant 0 : i32
        %dma_wait3A_578 = tpu.memref_slice %arg6[%dma_wait3A_576, %dma_wait3A_577] : memref<10000x64xf32, #tpu.memory_space<vmem_shared>> -> memref<10000x64xf32, #tpu.memory_space<vmem_shared>>
        %dma_wait3A_579 = tpu.memref_slice %arg10[%dma_wait3A_568] : memref<4x!tpu.dma_semaphore, #tpu.memory_space<semaphore_mem>> -> memref<1x!tpu.dma_semaphore, #tpu.memory_space<semaphore_mem>>
        %dma_wait3A_580 = tpu.memref_squeeze %dma_wait3A_579 : memref<1x!tpu.dma_semaphore, #tpu.memory_space<semaphore_mem>> -> memref<!tpu.dma_semaphore, #tpu.memory_space<semaphore_mem>>
        tpu.wait_indirect_dma semaphore(%dma_wait3A_580 : memref<!tpu.dma_semaphore, #tpu.memory_space<semaphore_mem>>) src(%dma_wait3A_572 : memref<128x64xf32, #tpu.memory_space<vmem>>) dst(%dma_wait3A_578 : memref<10000x64xf32, #tpu.memory_space<vmem_shared>>)
      } else {
      }
      %add3A_476 = arith.constant 2 : i32
      %add3A_477 = arith.addi %add3A_416, %add3A_476 : i32
      %lt3A_478 = arith.constant 78 : i32
      %lt3A_479 = arith.cmpi slt, %add3A_477, %lt3A_478 : i32
      %convert_element_type3A_480 = arith.extui %lt3A_479 : i1 to i32
      %cond3A_481 = arith.constant 0 : i32
      %cond3A_482 = arith.cmpi ne, %convert_element_type3A_480, %cond3A_481 : i32
      scf.if %cond3A_482 {
        %add3A_551 = arith.constant 2 : i32
        %add3A_552 = arith.addi %add3A_416, %add3A_551 : i32
        %mul3A_553 = arith.constant 2 : i32
        %mul3A_554 = arith.muli %add3A_552, %mul3A_553 : i32
        %add3A_555 = arith.addi %add3A, %mul3A_554 : i32
        %mul3A_556 = arith.constant 128 : i32
        %mul3A_557 = arith.muli %add3A_555, %mul3A_556 : i32
        %mul3A_558 = arith.constant 64 : i32
        %mul3A_559 = arith.muli %arg0, %mul3A_558 : i32
        %dma_start3A_560 = arith.constant 0 : i32
        %dma_start3A_561 = arith.constant 0 : i32
        %dma_start3A_562 = arith.constant 0 : i32
        %dma_start3A_563 = arith.constant 0 : i32
        %dma_start3A_564 = tpu.memref_slice %arg7[%dma_start3A_560, %dma_start3A_562, %dma_start3A_563] : memref<4x256x64xf32, #tpu.memory_space<vmem>> -> memref<1x256x64xf32, #tpu.memory_space<vmem>>
        %dma_start3A_565 = tpu.memref_squeeze %dma_start3A_564 : memref<1x256x64xf32, #tpu.memory_space<vmem>> -> memref<256x64xf32, #tpu.memory_space<vmem>>
        %dma_start3A_566 = tpu.memref_slice %arg2[%mul3A_557, %mul3A_559] : memref<320000x128xf32, #tpu.memory_space<hbm>> -> memref<256x64xf32, #tpu.memory_space<hbm>>
        %dma_start3A_567 = tpu.memref_slice %arg9[%dma_start3A_561] : memref<4x!tpu.dma_semaphore, #tpu.memory_space<semaphore_mem>> -> memref<1x!tpu.dma_semaphore, #tpu.memory_space<semaphore_mem>>
        %dma_start3A_568 = tpu.memref_squeeze %dma_start3A_567 : memref<1x!tpu.dma_semaphore, #tpu.memory_space<semaphore_mem>> -> memref<!tpu.dma_semaphore, #tpu.memory_space<semaphore_mem>>
        %dma_start3A_569 = arith.constant 0 : i32
        %dma_start3A_570 = arith.constant 0 : i32
        %dma_start3A_571 = tpu.memref_slice %arg7[%dma_start3A_560, %dma_start3A_569, %dma_start3A_570] : memref<4x256x64xf32, #tpu.memory_space<vmem>> -> memref<1x256x64xf32, #tpu.memory_space<vmem>>
        %dma_start3A_572 = tpu.memref_squeeze %dma_start3A_571 : memref<1x256x64xf32, #tpu.memory_space<vmem>> -> memref<256x64xf32, #tpu.memory_space<vmem>>
        %dma_start3A_573 = tpu.memref_slice %arg2[%mul3A_557, %mul3A_559] : memref<320000x128xf32, #tpu.memory_space<hbm>> -> memref<256x64xf32, #tpu.memory_space<hbm>>
        tpu.enqueue_dma source(%dma_start3A_573 : memref<256x64xf32, #tpu.memory_space<hbm>>) target(%dma_start3A_572 : memref<256x64xf32, #tpu.memory_space<vmem>>) target_semaphore(%dma_start3A_568 : memref<!tpu.dma_semaphore, #tpu.memory_space<semaphore_mem>>)
      } else {
      }
      %add3A_483 = arith.constant 3 : i32
      %add3A_484 = arith.addi %mul3A_279, %add3A_483 : i32
      %dma_wait3A_485 = arith.constant 3 : i32
      %dma_wait3A_486 = arith.constant 3 : i32
      %dma_wait3A_487 = arith.constant 0 : i32
      %dma_wait3A_488 = arith.constant 0 : i32
      %dma_wait3A_489 = tpu.memref_slice %arg7[%dma_wait3A_485, %dma_wait3A_487, %dma_wait3A_488] : memref<4x256x64xf32, #tpu.memory_space<vmem>> -> memref<1x256x64xf32, #tpu.memory_space<vmem>>
      %dma_wait3A_490 = tpu.memref_squeeze %dma_wait3A_489 : memref<1x256x64xf32, #tpu.memory_space<vmem>> -> memref<256x64xf32, #tpu.memory_space<vmem>>
      %dma_wait3A_491 = arith.constant 0 : i32
      %dma_wait3A_492 = arith.constant 0 : i32
      %dma_wait3A_493 = tpu.memref_slice %arg2[%dma_wait3A_491, %dma_wait3A_492] : memref<320000x128xf32, #tpu.memory_space<hbm>> -> memref<256x64xf32, #tpu.memory_space<hbm>>
      %dma_wait3A_494 = tpu.memref_slice %arg9[%dma_wait3A_486] : memref<4x!tpu.dma_semaphore, #tpu.memory_space<semaphore_mem>> -> memref<1x!tpu.dma_semaphore, #tpu.memory_space<semaphore_mem>>
      %dma_wait3A_495 = tpu.memref_squeeze %dma_wait3A_494 : memref<1x!tpu.dma_semaphore, #tpu.memory_space<semaphore_mem>> -> memref<!tpu.dma_semaphore, #tpu.memory_space<semaphore_mem>>
      %dma_wait3A_496 = arith.constant 0 : i32
      %dma_wait3A_497 = arith.constant 0 : i32
      %dma_wait3A_498 = tpu.memref_slice %arg7[%dma_wait3A_485, %dma_wait3A_496, %dma_wait3A_497] : memref<4x256x64xf32, #tpu.memory_space<vmem>> -> memref<1x256x64xf32, #tpu.memory_space<vmem>>
      %dma_wait3A_499 = tpu.memref_squeeze %dma_wait3A_498 : memref<1x256x64xf32, #tpu.memory_space<vmem>> -> memref<256x64xf32, #tpu.memory_space<vmem>>
      %dma_wait3A_500 = arith.constant 0 : i32
      %dma_wait3A_501 = arith.constant 0 : i32
      %dma_wait3A_502 = tpu.memref_slice %arg2[%dma_wait3A_500, %dma_wait3A_501] : memref<320000x128xf32, #tpu.memory_space<hbm>> -> memref<256x64xf32, #tpu.memory_space<hbm>>
      tpu.wait_dma2 semaphore(%dma_wait3A_495 : memref<!tpu.dma_semaphore, #tpu.memory_space<semaphore_mem>>) src(%dma_wait3A_502 : memref<256x64xf32, #tpu.memory_space<hbm>>) dst(%dma_wait3A_499 : memref<256x64xf32, #tpu.memory_space<vmem>>)
      %mul3A_503 = arith.constant 2 : i32
      %mul3A_504 = arith.muli %add3A_484, %mul3A_503 : i32
      %add3A_505 = arith.constant 0 : i32
      %add3A_506 = arith.addi %mul3A_504, %add3A_505 : i32
      %dma_start3A_507 = arith.constant 3 : i32
      %dma_start3A_508 = arith.constant 3 : i32
      %dma_start3A_509 = arith.constant 0 : i32
      %dma_start3A_510 = arith.constant 0 : i32
      %dma_start3A_511 = tpu.memref_slice %arg7[%dma_start3A_507, %dma_start3A_509, %dma_start3A_510] : memref<4x256x64xf32, #tpu.memory_space<vmem>> -> memref<1x128x64xf32, #tpu.memory_space<vmem>>
      %dma_start3A_512 = tpu.memref_squeeze %dma_start3A_511 : memref<1x128x64xf32, #tpu.memory_space<vmem>> -> memref<128x64xf32, #tpu.memory_space<vmem>>
      %dma_start3A_513 = arith.constant 0 : i32
      %dma_start3A_514 = tpu.memref_slice %arg8[%add3A_506, %dma_start3A_513] : memref<157x128xi32, #tpu.memory_space<vmem>> -> memref<1x128xi32, #tpu.memory_space<vmem>>
      %dma_start3A_515 = tpu.memref_squeeze %dma_start3A_514 : memref<1x128xi32, #tpu.memory_space<vmem>> -> memref<128xi32, #tpu.memory_space<vmem>>
      %dma_start3A_516 = arith.constant 0 : i32
      %dma_start3A_517 = arith.constant 0 : i32
      %dma_start3A_518 = tpu.memref_slice %arg6[%dma_start3A_516, %dma_start3A_517] : memref<10000x64xf32, #tpu.memory_space<vmem_shared>> -> memref<10000x64xf32, #tpu.memory_space<vmem_shared>>
      %dma_start3A_519 = tpu.memref_slice %arg10[%dma_start3A_508] : memref<4x!tpu.dma_semaphore, #tpu.memory_space<semaphore_mem>> -> memref<1x!tpu.dma_semaphore, #tpu.memory_space<semaphore_mem>>
      %dma_start3A_520 = tpu.memref_squeeze %dma_start3A_519 : memref<1x!tpu.dma_semaphore, #tpu.memory_space<semaphore_mem>> -> memref<!tpu.dma_semaphore, #tpu.memory_space<semaphore_mem>>
      tpu.enqueue_indirect_dma source(%dma_start3A_512 : memref<128x64xf32, #tpu.memory_space<vmem>>) target(%dma_start3A_518 : memref<10000x64xf32, #tpu.memory_space<vmem_shared>>) offsets(%dma_start3A_515 : memref<128xi32, #tpu.memory_space<vmem>>) semaphore(%dma_start3A_520 : memref<!tpu.dma_semaphore, #tpu.memory_space<semaphore_mem>>) {add = true}
      %mul3A_521 = arith.constant 2 : i32
      %mul3A_522 = arith.muli %add3A_484, %mul3A_521 : i32
      %add3A_523 = arith.constant 1 : i32
      %add3A_524 = arith.addi %mul3A_522, %add3A_523 : i32
      %dma_start3A_525 = arith.constant 3 : i32
      %dma_start3A_526 = arith.constant 3 : i32
      %dma_start3A_527 = arith.constant 128 : i32
      %dma_start3A_528 = arith.constant 0 : i32
      %dma_start3A_529 = tpu.memref_slice %arg7[%dma_start3A_525, %dma_start3A_527, %dma_start3A_528] : memref<4x256x64xf32, #tpu.memory_space<vmem>> -> memref<1x128x64xf32, #tpu.memory_space<vmem>>
      %dma_start3A_530 = tpu.memref_squeeze %dma_start3A_529 : memref<1x128x64xf32, #tpu.memory_space<vmem>> -> memref<128x64xf32, #tpu.memory_space<vmem>>
      %dma_start3A_531 = arith.constant 0 : i32
      %dma_start3A_532 = tpu.memref_slice %arg8[%add3A_524, %dma_start3A_531] : memref<157x128xi32, #tpu.memory_space<vmem>> -> memref<1x128xi32, #tpu.memory_space<vmem>>
      %dma_start3A_533 = tpu.memref_squeeze %dma_start3A_532 : memref<1x128xi32, #tpu.memory_space<vmem>> -> memref<128xi32, #tpu.memory_space<vmem>>
      %dma_start3A_534 = arith.constant 0 : i32
      %dma_start3A_535 = arith.constant 0 : i32
      %dma_start3A_536 = tpu.memref_slice %arg6[%dma_start3A_534, %dma_start3A_535] : memref<10000x64xf32, #tpu.memory_space<vmem_shared>> -> memref<10000x64xf32, #tpu.memory_space<vmem_shared>>
      %dma_start3A_537 = tpu.memref_slice %arg10[%dma_start3A_526] : memref<4x!tpu.dma_semaphore, #tpu.memory_space<semaphore_mem>> -> memref<1x!tpu.dma_semaphore, #tpu.memory_space<semaphore_mem>>
      %dma_start3A_538 = tpu.memref_squeeze %dma_start3A_537 : memref<1x!tpu.dma_semaphore, #tpu.memory_space<semaphore_mem>> -> memref<!tpu.dma_semaphore, #tpu.memory_space<semaphore_mem>>
      tpu.enqueue_indirect_dma source(%dma_start3A_530 : memref<128x64xf32, #tpu.memory_space<vmem>>) target(%dma_start3A_536 : memref<10000x64xf32, #tpu.memory_space<vmem_shared>>) offsets(%dma_start3A_533 : memref<128xi32, #tpu.memory_space<vmem>>) semaphore(%dma_start3A_538 : memref<!tpu.dma_semaphore, #tpu.memory_space<semaphore_mem>>) {add = true}
      %ge3A_539 = arith.constant 2 : i32
      %ge3A_540 = arith.cmpi sge, %add3A_484, %ge3A_539 : i32
      %convert_element_type3A_541 = arith.extui %ge3A_540 : i1 to i32
      %cond3A_542 = arith.constant 0 : i32
      %cond3A_543 = arith.cmpi ne, %convert_element_type3A_541, %cond3A_542 : i32
      scf.if %cond3A_543 {
        %dma_wait3A_551 = arith.constant 1 : i32
        %dma_wait3A_552 = arith.constant 0 : i32
        %dma_wait3A_553 = arith.constant 1 : i32
        %dma_wait3A_554 = arith.constant 0 : i32
        %dma_wait3A_555 = arith.constant 0 : i32
        %dma_wait3A_556 = tpu.memref_slice %arg7[%dma_wait3A_551, %dma_wait3A_554, %dma_wait3A_555] : memref<4x256x64xf32, #tpu.memory_space<vmem>> -> memref<1x128x64xf32, #tpu.memory_space<vmem>>
        %dma_wait3A_557 = tpu.memref_squeeze %dma_wait3A_556 : memref<1x128x64xf32, #tpu.memory_space<vmem>> -> memref<128x64xf32, #tpu.memory_space<vmem>>
        %dma_wait3A_558 = arith.constant 0 : i32
        %dma_wait3A_559 = tpu.memref_slice %arg8[%dma_wait3A_552, %dma_wait3A_558] : memref<157x128xi32, #tpu.memory_space<vmem>> -> memref<1x128xi32, #tpu.memory_space<vmem>>
        %dma_wait3A_560 = tpu.memref_squeeze %dma_wait3A_559 : memref<1x128xi32, #tpu.memory_space<vmem>> -> memref<128xi32, #tpu.memory_space<vmem>>
        %dma_wait3A_561 = arith.constant 0 : i32
        %dma_wait3A_562 = arith.constant 0 : i32
        %dma_wait3A_563 = tpu.memref_slice %arg6[%dma_wait3A_561, %dma_wait3A_562] : memref<10000x64xf32, #tpu.memory_space<vmem_shared>> -> memref<10000x64xf32, #tpu.memory_space<vmem_shared>>
        %dma_wait3A_564 = tpu.memref_slice %arg10[%dma_wait3A_553] : memref<4x!tpu.dma_semaphore, #tpu.memory_space<semaphore_mem>> -> memref<1x!tpu.dma_semaphore, #tpu.memory_space<semaphore_mem>>
        %dma_wait3A_565 = tpu.memref_squeeze %dma_wait3A_564 : memref<1x!tpu.dma_semaphore, #tpu.memory_space<semaphore_mem>> -> memref<!tpu.dma_semaphore, #tpu.memory_space<semaphore_mem>>
        tpu.wait_indirect_dma semaphore(%dma_wait3A_565 : memref<!tpu.dma_semaphore, #tpu.memory_space<semaphore_mem>>) src(%dma_wait3A_557 : memref<128x64xf32, #tpu.memory_space<vmem>>) dst(%dma_wait3A_563 : memref<10000x64xf32, #tpu.memory_space<vmem_shared>>)
        %dma_wait3A_566 = arith.constant 1 : i32
        %dma_wait3A_567 = arith.constant 0 : i32
        %dma_wait3A_568 = arith.constant 1 : i32
        %dma_wait3A_569 = arith.constant 128 : i32
        %dma_wait3A_570 = arith.constant 0 : i32
        %dma_wait3A_571 = tpu.memref_slice %arg7[%dma_wait3A_566, %dma_wait3A_569, %dma_wait3A_570] : memref<4x256x64xf32, #tpu.memory_space<vmem>> -> memref<1x128x64xf32, #tpu.memory_space<vmem>>
        %dma_wait3A_572 = tpu.memref_squeeze %dma_wait3A_571 : memref<1x128x64xf32, #tpu.memory_space<vmem>> -> memref<128x64xf32, #tpu.memory_space<vmem>>
        %dma_wait3A_573 = arith.constant 0 : i32
        %dma_wait3A_574 = tpu.memref_slice %arg8[%dma_wait3A_567, %dma_wait3A_573] : memref<157x128xi32, #tpu.memory_space<vmem>> -> memref<1x128xi32, #tpu.memory_space<vmem>>
        %dma_wait3A_575 = tpu.memref_squeeze %dma_wait3A_574 : memref<1x128xi32, #tpu.memory_space<vmem>> -> memref<128xi32, #tpu.memory_space<vmem>>
        %dma_wait3A_576 = arith.constant 0 : i32
        %dma_wait3A_577 = arith.constant 0 : i32
        %dma_wait3A_578 = tpu.memref_slice %arg6[%dma_wait3A_576, %dma_wait3A_577] : memref<10000x64xf32, #tpu.memory_space<vmem_shared>> -> memref<10000x64xf32, #tpu.memory_space<vmem_shared>>
        %dma_wait3A_579 = tpu.memref_slice %arg10[%dma_wait3A_568] : memref<4x!tpu.dma_semaphore, #tpu.memory_space<semaphore_mem>> -> memref<1x!tpu.dma_semaphore, #tpu.memory_space<semaphore_mem>>
        %dma_wait3A_580 = tpu.memref_squeeze %dma_wait3A_579 : memref<1x!tpu.dma_semaphore, #tpu.memory_space<semaphore_mem>> -> memref<!tpu.dma_semaphore, #tpu.memory_space<semaphore_mem>>
        tpu.wait_indirect_dma semaphore(%dma_wait3A_580 : memref<!tpu.dma_semaphore, #tpu.memory_space<semaphore_mem>>) src(%dma_wait3A_572 : memref<128x64xf32, #tpu.memory_space<vmem>>) dst(%dma_wait3A_578 : memref<10000x64xf32, #tpu.memory_space<vmem_shared>>)
      } else {
      }
      %add3A_544 = arith.constant 2 : i32
      %add3A_545 = arith.addi %add3A_484, %add3A_544 : i32
      %lt3A_546 = arith.constant 78 : i32
      %lt3A_547 = arith.cmpi slt, %add3A_545, %lt3A_546 : i32
      %convert_element_type3A_548 = arith.extui %lt3A_547 : i1 to i32
      %cond3A_549 = arith.constant 0 : i32
      %cond3A_550 = arith.cmpi ne, %convert_element_type3A_548, %cond3A_549 : i32
      scf.if %cond3A_550 {
        %add3A_551 = arith.constant 2 : i32
        %add3A_552 = arith.addi %add3A_484, %add3A_551 : i32
        %mul3A_553 = arith.constant 2 : i32
        %mul3A_554 = arith.muli %add3A_552, %mul3A_553 : i32
        %add3A_555 = arith.addi %add3A, %mul3A_554 : i32
        %mul3A_556 = arith.constant 128 : i32
        %mul3A_557 = arith.muli %add3A_555, %mul3A_556 : i32
        %mul3A_558 = arith.constant 64 : i32
        %mul3A_559 = arith.muli %arg0, %mul3A_558 : i32
        %dma_start3A_560 = arith.constant 1 : i32
        %dma_start3A_561 = arith.constant 1 : i32
        %dma_start3A_562 = arith.constant 0 : i32
        %dma_start3A_563 = arith.constant 0 : i32
        %dma_start3A_564 = tpu.memref_slice %arg7[%dma_start3A_560, %dma_start3A_562, %dma_start3A_563] : memref<4x256x64xf32, #tpu.memory_space<vmem>> -> memref<1x256x64xf32, #tpu.memory_space<vmem>>
        %dma_start3A_565 = tpu.memref_squeeze %dma_start3A_564 : memref<1x256x64xf32, #tpu.memory_space<vmem>> -> memref<256x64xf32, #tpu.memory_space<vmem>>
        %dma_start3A_566 = tpu.memref_slice %arg2[%mul3A_557, %mul3A_559] : memref<320000x128xf32, #tpu.memory_space<hbm>> -> memref<256x64xf32, #tpu.memory_space<hbm>>
        %dma_start3A_567 = tpu.memref_slice %arg9[%dma_start3A_561] : memref<4x!tpu.dma_semaphore, #tpu.memory_space<semaphore_mem>> -> memref<1x!tpu.dma_semaphore, #tpu.memory_space<semaphore_mem>>
        %dma_start3A_568 = tpu.memref_squeeze %dma_start3A_567 : memref<1x!tpu.dma_semaphore, #tpu.memory_space<semaphore_mem>> -> memref<!tpu.dma_semaphore, #tpu.memory_space<semaphore_mem>>
        %dma_start3A_569 = arith.constant 0 : i32
        %dma_start3A_570 = arith.constant 0 : i32
        %dma_start3A_571 = tpu.memref_slice %arg7[%dma_start3A_560, %dma_start3A_569, %dma_start3A_570] : memref<4x256x64xf32, #tpu.memory_space<vmem>> -> memref<1x256x64xf32, #tpu.memory_space<vmem>>
        %dma_start3A_572 = tpu.memref_squeeze %dma_start3A_571 : memref<1x256x64xf32, #tpu.memory_space<vmem>> -> memref<256x64xf32, #tpu.memory_space<vmem>>
        %dma_start3A_573 = tpu.memref_slice %arg2[%mul3A_557, %mul3A_559] : memref<320000x128xf32, #tpu.memory_space<hbm>> -> memref<256x64xf32, #tpu.memory_space<hbm>>
        tpu.enqueue_dma source(%dma_start3A_573 : memref<256x64xf32, #tpu.memory_space<hbm>>) target(%dma_start3A_572 : memref<256x64xf32, #tpu.memory_space<vmem>>) target_semaphore(%dma_start3A_568 : memref<!tpu.dma_semaphore, #tpu.memory_space<semaphore_mem>>)
      } else {
      }
    }
    %scan3A_49 = arith.constant 19 : i32
    %dma_wait3A = arith.constant 0 : i32
    %dma_wait3A_50 = arith.constant 0 : i32
    %dma_wait3A_51 = arith.constant 0 : i32
    %dma_wait3A_52 = arith.constant 0 : i32
    %dma_wait3A_53 = tpu.memref_slice %arg7[%dma_wait3A, %dma_wait3A_51, %dma_wait3A_52] : memref<4x256x64xf32, #tpu.memory_space<vmem>> -> memref<1x256x64xf32, #tpu.memory_space<vmem>>
    %dma_wait3A_54 = tpu.memref_squeeze %dma_wait3A_53 : memref<1x256x64xf32, #tpu.memory_space<vmem>> -> memref<256x64xf32, #tpu.memory_space<vmem>>
    %dma_wait3A_55 = arith.constant 0 : i32
    %dma_wait3A_56 = arith.constant 0 : i32
    %dma_wait3A_57 = tpu.memref_slice %arg2[%dma_wait3A_55, %dma_wait3A_56] : memref<320000x128xf32, #tpu.memory_space<hbm>> -> memref<256x64xf32, #tpu.memory_space<hbm>>
    %dma_wait3A_58 = tpu.memref_slice %arg9[%dma_wait3A_50] : memref<4x!tpu.dma_semaphore, #tpu.memory_space<semaphore_mem>> -> memref<1x!tpu.dma_semaphore, #tpu.memory_space<semaphore_mem>>
    %dma_wait3A_59 = tpu.memref_squeeze %dma_wait3A_58 : memref<1x!tpu.dma_semaphore, #tpu.memory_space<semaphore_mem>> -> memref<!tpu.dma_semaphore, #tpu.memory_space<semaphore_mem>>
    %dma_wait3A_60 = arith.constant 0 : i32
    %dma_wait3A_61 = arith.constant 0 : i32
    %dma_wait3A_62 = tpu.memref_slice %arg7[%dma_wait3A, %dma_wait3A_60, %dma_wait3A_61] : memref<4x256x64xf32, #tpu.memory_space<vmem>> -> memref<1x256x64xf32, #tpu.memory_space<vmem>>
    %dma_wait3A_63 = tpu.memref_squeeze %dma_wait3A_62 : memref<1x256x64xf32, #tpu.memory_space<vmem>> -> memref<256x64xf32, #tpu.memory_space<vmem>>
    %dma_wait3A_64 = arith.constant 0 : i32
    %dma_wait3A_65 = arith.constant 0 : i32
    %dma_wait3A_66 = tpu.memref_slice %arg2[%dma_wait3A_64, %dma_wait3A_65] : memref<320000x128xf32, #tpu.memory_space<hbm>> -> memref<256x64xf32, #tpu.memory_space<hbm>>
    tpu.wait_dma2 semaphore(%dma_wait3A_59 : memref<!tpu.dma_semaphore, #tpu.memory_space<semaphore_mem>>) src(%dma_wait3A_66 : memref<256x64xf32, #tpu.memory_space<hbm>>) dst(%dma_wait3A_63 : memref<256x64xf32, #tpu.memory_space<vmem>>)
    %dma_start3A_67 = arith.constant 0 : i32
    %dma_start3A_68 = arith.constant 152 : i32
    %dma_start3A_69 = arith.constant 0 : i32
    %dma_start3A_70 = arith.constant 0 : i32
    %dma_start3A_71 = arith.constant 0 : i32
    %dma_start3A_72 = tpu.memref_slice %arg7[%dma_start3A_67, %dma_start3A_70, %dma_start3A_71] : memref<4x256x64xf32, #tpu.memory_space<vmem>> -> memref<1x128x64xf32, #tpu.memory_space<vmem>>
    %dma_start3A_73 = tpu.memref_squeeze %dma_start3A_72 : memref<1x128x64xf32, #tpu.memory_space<vmem>> -> memref<128x64xf32, #tpu.memory_space<vmem>>
    %dma_start3A_74 = arith.constant 0 : i32
    %dma_start3A_75 = tpu.memref_slice %arg8[%dma_start3A_68, %dma_start3A_74] : memref<157x128xi32, #tpu.memory_space<vmem>> -> memref<1x128xi32, #tpu.memory_space<vmem>>
    %dma_start3A_76 = tpu.memref_squeeze %dma_start3A_75 : memref<1x128xi32, #tpu.memory_space<vmem>> -> memref<128xi32, #tpu.memory_space<vmem>>
    %dma_start3A_77 = arith.constant 0 : i32
    %dma_start3A_78 = arith.constant 0 : i32
    %dma_start3A_79 = tpu.memref_slice %arg6[%dma_start3A_77, %dma_start3A_78] : memref<10000x64xf32, #tpu.memory_space<vmem_shared>> -> memref<10000x64xf32, #tpu.memory_space<vmem_shared>>
    %dma_start3A_80 = tpu.memref_slice %arg10[%dma_start3A_69] : memref<4x!tpu.dma_semaphore, #tpu.memory_space<semaphore_mem>> -> memref<1x!tpu.dma_semaphore, #tpu.memory_space<semaphore_mem>>
    %dma_start3A_81 = tpu.memref_squeeze %dma_start3A_80 : memref<1x!tpu.dma_semaphore, #tpu.memory_space<semaphore_mem>> -> memref<!tpu.dma_semaphore, #tpu.memory_space<semaphore_mem>>
    tpu.enqueue_indirect_dma source(%dma_start3A_73 : memref<128x64xf32, #tpu.memory_space<vmem>>) target(%dma_start3A_79 : memref<10000x64xf32, #tpu.memory_space<vmem_shared>>) offsets(%dma_start3A_76 : memref<128xi32, #tpu.memory_space<vmem>>) semaphore(%dma_start3A_81 : memref<!tpu.dma_semaphore, #tpu.memory_space<semaphore_mem>>) {add = true}
    %dma_start3A_82 = arith.constant 0 : i32
    %dma_start3A_83 = arith.constant 153 : i32
    %dma_start3A_84 = arith.constant 0 : i32
    %dma_start3A_85 = arith.constant 128 : i32
    %dma_start3A_86 = arith.constant 0 : i32
    %dma_start3A_87 = tpu.memref_slice %arg7[%dma_start3A_82, %dma_start3A_85, %dma_start3A_86] : memref<4x256x64xf32, #tpu.memory_space<vmem>> -> memref<1x128x64xf32, #tpu.memory_space<vmem>>
    %dma_start3A_88 = tpu.memref_squeeze %dma_start3A_87 : memref<1x128x64xf32, #tpu.memory_space<vmem>> -> memref<128x64xf32, #tpu.memory_space<vmem>>
    %dma_start3A_89 = arith.constant 0 : i32
    %dma_start3A_90 = tpu.memref_slice %arg8[%dma_start3A_83, %dma_start3A_89] : memref<157x128xi32, #tpu.memory_space<vmem>> -> memref<1x128xi32, #tpu.memory_space<vmem>>
    %dma_start3A_91 = tpu.memref_squeeze %dma_start3A_90 : memref<1x128xi32, #tpu.memory_space<vmem>> -> memref<128xi32, #tpu.memory_space<vmem>>
    %dma_start3A_92 = arith.constant 0 : i32
    %dma_start3A_93 = arith.constant 0 : i32
    %dma_start3A_94 = tpu.memref_slice %arg6[%dma_start3A_92, %dma_start3A_93] : memref<10000x64xf32, #tpu.memory_space<vmem_shared>> -> memref<10000x64xf32, #tpu.memory_space<vmem_shared>>
    %dma_start3A_95 = tpu.memref_slice %arg10[%dma_start3A_84] : memref<4x!tpu.dma_semaphore, #tpu.memory_space<semaphore_mem>> -> memref<1x!tpu.dma_semaphore, #tpu.memory_space<semaphore_mem>>
    %dma_start3A_96 = tpu.memref_squeeze %dma_start3A_95 : memref<1x!tpu.dma_semaphore, #tpu.memory_space<semaphore_mem>> -> memref<!tpu.dma_semaphore, #tpu.memory_space<semaphore_mem>>
    tpu.enqueue_indirect_dma source(%dma_start3A_88 : memref<128x64xf32, #tpu.memory_space<vmem>>) target(%dma_start3A_94 : memref<10000x64xf32, #tpu.memory_space<vmem_shared>>) offsets(%dma_start3A_91 : memref<128xi32, #tpu.memory_space<vmem>>) semaphore(%dma_start3A_96 : memref<!tpu.dma_semaphore, #tpu.memory_space<semaphore_mem>>) {add = true}
    %dma_wait3A_97 = arith.constant 2 : i32
    %dma_wait3A_98 = arith.constant 0 : i32
    %dma_wait3A_99 = arith.constant 2 : i32
    %dma_wait3A_100 = arith.constant 0 : i32
    %dma_wait3A_101 = arith.constant 0 : i32
    %dma_wait3A_102 = tpu.memref_slice %arg7[%dma_wait3A_97, %dma_wait3A_100, %dma_wait3A_101] : memref<4x256x64xf32, #tpu.memory_space<vmem>> -> memref<1x128x64xf32, #tpu.memory_space<vmem>>
    %dma_wait3A_103 = tpu.memref_squeeze %dma_wait3A_102 : memref<1x128x64xf32, #tpu.memory_space<vmem>> -> memref<128x64xf32, #tpu.memory_space<vmem>>
    %dma_wait3A_104 = arith.constant 0 : i32
    %dma_wait3A_105 = tpu.memref_slice %arg8[%dma_wait3A_98, %dma_wait3A_104] : memref<157x128xi32, #tpu.memory_space<vmem>> -> memref<1x128xi32, #tpu.memory_space<vmem>>
    %dma_wait3A_106 = tpu.memref_squeeze %dma_wait3A_105 : memref<1x128xi32, #tpu.memory_space<vmem>> -> memref<128xi32, #tpu.memory_space<vmem>>
    %dma_wait3A_107 = arith.constant 0 : i32
    %dma_wait3A_108 = arith.constant 0 : i32
    %dma_wait3A_109 = tpu.memref_slice %arg6[%dma_wait3A_107, %dma_wait3A_108] : memref<10000x64xf32, #tpu.memory_space<vmem_shared>> -> memref<10000x64xf32, #tpu.memory_space<vmem_shared>>
    %dma_wait3A_110 = tpu.memref_slice %arg10[%dma_wait3A_99] : memref<4x!tpu.dma_semaphore, #tpu.memory_space<semaphore_mem>> -> memref<1x!tpu.dma_semaphore, #tpu.memory_space<semaphore_mem>>
    %dma_wait3A_111 = tpu.memref_squeeze %dma_wait3A_110 : memref<1x!tpu.dma_semaphore, #tpu.memory_space<semaphore_mem>> -> memref<!tpu.dma_semaphore, #tpu.memory_space<semaphore_mem>>
    tpu.wait_indirect_dma semaphore(%dma_wait3A_111 : memref<!tpu.dma_semaphore, #tpu.memory_space<semaphore_mem>>) src(%dma_wait3A_103 : memref<128x64xf32, #tpu.memory_space<vmem>>) dst(%dma_wait3A_109 : memref<10000x64xf32, #tpu.memory_space<vmem_shared>>)
    %dma_wait3A_112 = arith.constant 2 : i32
    %dma_wait3A_113 = arith.constant 0 : i32
    %dma_wait3A_114 = arith.constant 2 : i32
    %dma_wait3A_115 = arith.constant 128 : i32
    %dma_wait3A_116 = arith.constant 0 : i32
    %dma_wait3A_117 = tpu.memref_slice %arg7[%dma_wait3A_112, %dma_wait3A_115, %dma_wait3A_116] : memref<4x256x64xf32, #tpu.memory_space<vmem>> -> memref<1x128x64xf32, #tpu.memory_space<vmem>>
    %dma_wait3A_118 = tpu.memref_squeeze %dma_wait3A_117 : memref<1x128x64xf32, #tpu.memory_space<vmem>> -> memref<128x64xf32, #tpu.memory_space<vmem>>
    %dma_wait3A_119 = arith.constant 0 : i32
    %dma_wait3A_120 = tpu.memref_slice %arg8[%dma_wait3A_113, %dma_wait3A_119] : memref<157x128xi32, #tpu.memory_space<vmem>> -> memref<1x128xi32, #tpu.memory_space<vmem>>
    %dma_wait3A_121 = tpu.memref_squeeze %dma_wait3A_120 : memref<1x128xi32, #tpu.memory_space<vmem>> -> memref<128xi32, #tpu.memory_space<vmem>>
    %dma_wait3A_122 = arith.constant 0 : i32
    %dma_wait3A_123 = arith.constant 0 : i32
    %dma_wait3A_124 = tpu.memref_slice %arg6[%dma_wait3A_122, %dma_wait3A_123] : memref<10000x64xf32, #tpu.memory_space<vmem_shared>> -> memref<10000x64xf32, #tpu.memory_space<vmem_shared>>
    %dma_wait3A_125 = tpu.memref_slice %arg10[%dma_wait3A_114] : memref<4x!tpu.dma_semaphore, #tpu.memory_space<semaphore_mem>> -> memref<1x!tpu.dma_semaphore, #tpu.memory_space<semaphore_mem>>
    %dma_wait3A_126 = tpu.memref_squeeze %dma_wait3A_125 : memref<1x!tpu.dma_semaphore, #tpu.memory_space<semaphore_mem>> -> memref<!tpu.dma_semaphore, #tpu.memory_space<semaphore_mem>>
    tpu.wait_indirect_dma semaphore(%dma_wait3A_126 : memref<!tpu.dma_semaphore, #tpu.memory_space<semaphore_mem>>) src(%dma_wait3A_118 : memref<128x64xf32, #tpu.memory_space<vmem>>) dst(%dma_wait3A_124 : memref<10000x64xf32, #tpu.memory_space<vmem_shared>>)
    %dma_wait3A_127 = arith.constant 1 : i32
    %dma_wait3A_128 = arith.constant 1 : i32
    %dma_wait3A_129 = arith.constant 0 : i32
    %dma_wait3A_130 = arith.constant 0 : i32
    %dma_wait3A_131 = tpu.memref_slice %arg7[%dma_wait3A_127, %dma_wait3A_129, %dma_wait3A_130] : memref<4x256x64xf32, #tpu.memory_space<vmem>> -> memref<1x256x64xf32, #tpu.memory_space<vmem>>
    %dma_wait3A_132 = tpu.memref_squeeze %dma_wait3A_131 : memref<1x256x64xf32, #tpu.memory_space<vmem>> -> memref<256x64xf32, #tpu.memory_space<vmem>>
    %dma_wait3A_133 = arith.constant 0 : i32
    %dma_wait3A_134 = arith.constant 0 : i32
    %dma_wait3A_135 = tpu.memref_slice %arg2[%dma_wait3A_133, %dma_wait3A_134] : memref<320000x128xf32, #tpu.memory_space<hbm>> -> memref<256x64xf32, #tpu.memory_space<hbm>>
    %dma_wait3A_136 = tpu.memref_slice %arg9[%dma_wait3A_128] : memref<4x!tpu.dma_semaphore, #tpu.memory_space<semaphore_mem>> -> memref<1x!tpu.dma_semaphore, #tpu.memory_space<semaphore_mem>>
    %dma_wait3A_137 = tpu.memref_squeeze %dma_wait3A_136 : memref<1x!tpu.dma_semaphore, #tpu.memory_space<semaphore_mem>> -> memref<!tpu.dma_semaphore, #tpu.memory_space<semaphore_mem>>
    %dma_wait3A_138 = arith.constant 0 : i32
    %dma_wait3A_139 = arith.constant 0 : i32
    %dma_wait3A_140 = tpu.memref_slice %arg7[%dma_wait3A_127, %dma_wait3A_138, %dma_wait3A_139] : memref<4x256x64xf32, #tpu.memory_space<vmem>> -> memref<1x256x64xf32, #tpu.memory_space<vmem>>
    %dma_wait3A_141 = tpu.memref_squeeze %dma_wait3A_140 : memref<1x256x64xf32, #tpu.memory_space<vmem>> -> memref<256x64xf32, #tpu.memory_space<vmem>>
    %dma_wait3A_142 = arith.constant 0 : i32
    %dma_wait3A_143 = arith.constant 0 : i32
    %dma_wait3A_144 = tpu.memref_slice %arg2[%dma_wait3A_142, %dma_wait3A_143] : memref<320000x128xf32, #tpu.memory_space<hbm>> -> memref<256x64xf32, #tpu.memory_space<hbm>>
    tpu.wait_dma2 semaphore(%dma_wait3A_137 : memref<!tpu.dma_semaphore, #tpu.memory_space<semaphore_mem>>) src(%dma_wait3A_144 : memref<256x64xf32, #tpu.memory_space<hbm>>) dst(%dma_wait3A_141 : memref<256x64xf32, #tpu.memory_space<vmem>>)
    %dma_start3A_145 = arith.constant 1 : i32
    %dma_start3A_146 = arith.constant 154 : i32
    %dma_start3A_147 = arith.constant 1 : i32
    %dma_start3A_148 = arith.constant 0 : i32
    %dma_start3A_149 = arith.constant 0 : i32
    %dma_start3A_150 = tpu.memref_slice %arg7[%dma_start3A_145, %dma_start3A_148, %dma_start3A_149] : memref<4x256x64xf32, #tpu.memory_space<vmem>> -> memref<1x128x64xf32, #tpu.memory_space<vmem>>
    %dma_start3A_151 = tpu.memref_squeeze %dma_start3A_150 : memref<1x128x64xf32, #tpu.memory_space<vmem>> -> memref<128x64xf32, #tpu.memory_space<vmem>>
    %dma_start3A_152 = arith.constant 0 : i32
    %dma_start3A_153 = tpu.memref_slice %arg8[%dma_start3A_146, %dma_start3A_152] : memref<157x128xi32, #tpu.memory_space<vmem>> -> memref<1x128xi32, #tpu.memory_space<vmem>>
    %dma_start3A_154 = tpu.memref_squeeze %dma_start3A_153 : memref<1x128xi32, #tpu.memory_space<vmem>> -> memref<128xi32, #tpu.memory_space<vmem>>
    %dma_start3A_155 = arith.constant 0 : i32
    %dma_start3A_156 = arith.constant 0 : i32
    %dma_start3A_157 = tpu.memref_slice %arg6[%dma_start3A_155, %dma_start3A_156] : memref<10000x64xf32, #tpu.memory_space<vmem_shared>> -> memref<10000x64xf32, #tpu.memory_space<vmem_shared>>
    %dma_start3A_158 = tpu.memref_slice %arg10[%dma_start3A_147] : memref<4x!tpu.dma_semaphore, #tpu.memory_space<semaphore_mem>> -> memref<1x!tpu.dma_semaphore, #tpu.memory_space<semaphore_mem>>
    %dma_start3A_159 = tpu.memref_squeeze %dma_start3A_158 : memref<1x!tpu.dma_semaphore, #tpu.memory_space<semaphore_mem>> -> memref<!tpu.dma_semaphore, #tpu.memory_space<semaphore_mem>>
    tpu.enqueue_indirect_dma source(%dma_start3A_151 : memref<128x64xf32, #tpu.memory_space<vmem>>) target(%dma_start3A_157 : memref<10000x64xf32, #tpu.memory_space<vmem_shared>>) offsets(%dma_start3A_154 : memref<128xi32, #tpu.memory_space<vmem>>) semaphore(%dma_start3A_159 : memref<!tpu.dma_semaphore, #tpu.memory_space<semaphore_mem>>) {add = true}
    %dma_start3A_160 = arith.constant 1 : i32
    %dma_start3A_161 = arith.constant 155 : i32
    %dma_start3A_162 = arith.constant 1 : i32
    %dma_start3A_163 = arith.constant 128 : i32
    %dma_start3A_164 = arith.constant 0 : i32
    %dma_start3A_165 = tpu.memref_slice %arg7[%dma_start3A_160, %dma_start3A_163, %dma_start3A_164] : memref<4x256x64xf32, #tpu.memory_space<vmem>> -> memref<1x128x64xf32, #tpu.memory_space<vmem>>
    %dma_start3A_166 = tpu.memref_squeeze %dma_start3A_165 : memref<1x128x64xf32, #tpu.memory_space<vmem>> -> memref<128x64xf32, #tpu.memory_space<vmem>>
    %dma_start3A_167 = arith.constant 0 : i32
    %dma_start3A_168 = tpu.memref_slice %arg8[%dma_start3A_161, %dma_start3A_167] : memref<157x128xi32, #tpu.memory_space<vmem>> -> memref<1x128xi32, #tpu.memory_space<vmem>>
    %dma_start3A_169 = tpu.memref_squeeze %dma_start3A_168 : memref<1x128xi32, #tpu.memory_space<vmem>> -> memref<128xi32, #tpu.memory_space<vmem>>
    %dma_start3A_170 = arith.constant 0 : i32
    %dma_start3A_171 = arith.constant 0 : i32
    %dma_start3A_172 = tpu.memref_slice %arg6[%dma_start3A_170, %dma_start3A_171] : memref<10000x64xf32, #tpu.memory_space<vmem_shared>> -> memref<10000x64xf32, #tpu.memory_space<vmem_shared>>
    %dma_start3A_173 = tpu.memref_slice %arg10[%dma_start3A_162] : memref<4x!tpu.dma_semaphore, #tpu.memory_space<semaphore_mem>> -> memref<1x!tpu.dma_semaphore, #tpu.memory_space<semaphore_mem>>
    %dma_start3A_174 = tpu.memref_squeeze %dma_start3A_173 : memref<1x!tpu.dma_semaphore, #tpu.memory_space<semaphore_mem>> -> memref<!tpu.dma_semaphore, #tpu.memory_space<semaphore_mem>>
    tpu.enqueue_indirect_dma source(%dma_start3A_166 : memref<128x64xf32, #tpu.memory_space<vmem>>) target(%dma_start3A_172 : memref<10000x64xf32, #tpu.memory_space<vmem_shared>>) offsets(%dma_start3A_169 : memref<128xi32, #tpu.memory_space<vmem>>) semaphore(%dma_start3A_174 : memref<!tpu.dma_semaphore, #tpu.memory_space<semaphore_mem>>) {add = true}
    %dma_wait3A_175 = arith.constant 3 : i32
    %dma_wait3A_176 = arith.constant 0 : i32
    %dma_wait3A_177 = arith.constant 3 : i32
    %dma_wait3A_178 = arith.constant 0 : i32
    %dma_wait3A_179 = arith.constant 0 : i32
    %dma_wait3A_180 = tpu.memref_slice %arg7[%dma_wait3A_175, %dma_wait3A_178, %dma_wait3A_179] : memref<4x256x64xf32, #tpu.memory_space<vmem>> -> memref<1x128x64xf32, #tpu.memory_space<vmem>>
    %dma_wait3A_181 = tpu.memref_squeeze %dma_wait3A_180 : memref<1x128x64xf32, #tpu.memory_space<vmem>> -> memref<128x64xf32, #tpu.memory_space<vmem>>
    %dma_wait3A_182 = arith.constant 0 : i32
    %dma_wait3A_183 = tpu.memref_slice %arg8[%dma_wait3A_176, %dma_wait3A_182] : memref<157x128xi32, #tpu.memory_space<vmem>> -> memref<1x128xi32, #tpu.memory_space<vmem>>
    %dma_wait3A_184 = tpu.memref_squeeze %dma_wait3A_183 : memref<1x128xi32, #tpu.memory_space<vmem>> -> memref<128xi32, #tpu.memory_space<vmem>>
    %dma_wait3A_185 = arith.constant 0 : i32
    %dma_wait3A_186 = arith.constant 0 : i32
    %dma_wait3A_187 = tpu.memref_slice %arg6[%dma_wait3A_185, %dma_wait3A_186] : memref<10000x64xf32, #tpu.memory_space<vmem_shared>> -> memref<10000x64xf32, #tpu.memory_space<vmem_shared>>
    %dma_wait3A_188 = tpu.memref_slice %arg10[%dma_wait3A_177] : memref<4x!tpu.dma_semaphore, #tpu.memory_space<semaphore_mem>> -> memref<1x!tpu.dma_semaphore, #tpu.memory_space<semaphore_mem>>
    %dma_wait3A_189 = tpu.memref_squeeze %dma_wait3A_188 : memref<1x!tpu.dma_semaphore, #tpu.memory_space<semaphore_mem>> -> memref<!tpu.dma_semaphore, #tpu.memory_space<semaphore_mem>>
    tpu.wait_indirect_dma semaphore(%dma_wait3A_189 : memref<!tpu.dma_semaphore, #tpu.memory_space<semaphore_mem>>) src(%dma_wait3A_181 : memref<128x64xf32, #tpu.memory_space<vmem>>) dst(%dma_wait3A_187 : memref<10000x64xf32, #tpu.memory_space<vmem_shared>>)
    %dma_wait3A_190 = arith.constant 3 : i32
    %dma_wait3A_191 = arith.constant 0 : i32
    %dma_wait3A_192 = arith.constant 3 : i32
    %dma_wait3A_193 = arith.constant 128 : i32
    %dma_wait3A_194 = arith.constant 0 : i32
    %dma_wait3A_195 = tpu.memref_slice %arg7[%dma_wait3A_190, %dma_wait3A_193, %dma_wait3A_194] : memref<4x256x64xf32, #tpu.memory_space<vmem>> -> memref<1x128x64xf32, #tpu.memory_space<vmem>>
    %dma_wait3A_196 = tpu.memref_squeeze %dma_wait3A_195 : memref<1x128x64xf32, #tpu.memory_space<vmem>> -> memref<128x64xf32, #tpu.memory_space<vmem>>
    %dma_wait3A_197 = arith.constant 0 : i32
    %dma_wait3A_198 = tpu.memref_slice %arg8[%dma_wait3A_191, %dma_wait3A_197] : memref<157x128xi32, #tpu.memory_space<vmem>> -> memref<1x128xi32, #tpu.memory_space<vmem>>
    %dma_wait3A_199 = tpu.memref_squeeze %dma_wait3A_198 : memref<1x128xi32, #tpu.memory_space<vmem>> -> memref<128xi32, #tpu.memory_space<vmem>>
    %dma_wait3A_200 = arith.constant 0 : i32
    %dma_wait3A_201 = arith.constant 0 : i32
    %dma_wait3A_202 = tpu.memref_slice %arg6[%dma_wait3A_200, %dma_wait3A_201] : memref<10000x64xf32, #tpu.memory_space<vmem_shared>> -> memref<10000x64xf32, #tpu.memory_space<vmem_shared>>
    %dma_wait3A_203 = tpu.memref_slice %arg10[%dma_wait3A_192] : memref<4x!tpu.dma_semaphore, #tpu.memory_space<semaphore_mem>> -> memref<1x!tpu.dma_semaphore, #tpu.memory_space<semaphore_mem>>
    %dma_wait3A_204 = tpu.memref_squeeze %dma_wait3A_203 : memref<1x!tpu.dma_semaphore, #tpu.memory_space<semaphore_mem>> -> memref<!tpu.dma_semaphore, #tpu.memory_space<semaphore_mem>>
    tpu.wait_indirect_dma semaphore(%dma_wait3A_204 : memref<!tpu.dma_semaphore, #tpu.memory_space<semaphore_mem>>) src(%dma_wait3A_196 : memref<128x64xf32, #tpu.memory_space<vmem>>) dst(%dma_wait3A_202 : memref<10000x64xf32, #tpu.memory_space<vmem_shared>>)
    %dma_wait3A_205 = arith.constant 0 : i32
    %dma_wait3A_206 = arith.constant 0 : i32
    %dma_wait3A_207 = arith.constant 0 : i32
    %dma_wait3A_208 = arith.constant 0 : i32
    %dma_wait3A_209 = arith.constant 0 : i32
    %dma_wait3A_210 = tpu.memref_slice %arg7[%dma_wait3A_205, %dma_wait3A_208, %dma_wait3A_209] : memref<4x256x64xf32, #tpu.memory_space<vmem>> -> memref<1x128x64xf32, #tpu.memory_space<vmem>>
    %dma_wait3A_211 = tpu.memref_squeeze %dma_wait3A_210 : memref<1x128x64xf32, #tpu.memory_space<vmem>> -> memref<128x64xf32, #tpu.memory_space<vmem>>
    %dma_wait3A_212 = arith.constant 0 : i32
    %dma_wait3A_213 = tpu.memref_slice %arg8[%dma_wait3A_206, %dma_wait3A_212] : memref<157x128xi32, #tpu.memory_space<vmem>> -> memref<1x128xi32, #tpu.memory_space<vmem>>
    %dma_wait3A_214 = tpu.memref_squeeze %dma_wait3A_213 : memref<1x128xi32, #tpu.memory_space<vmem>> -> memref<128xi32, #tpu.memory_space<vmem>>
    %dma_wait3A_215 = arith.constant 0 : i32
    %dma_wait3A_216 = arith.constant 0 : i32
    %dma_wait3A_217 = tpu.memref_slice %arg6[%dma_wait3A_215, %dma_wait3A_216] : memref<10000x64xf32, #tpu.memory_space<vmem_shared>> -> memref<10000x64xf32, #tpu.memory_space<vmem_shared>>
    %dma_wait3A_218 = tpu.memref_slice %arg10[%dma_wait3A_207] : memref<4x!tpu.dma_semaphore, #tpu.memory_space<semaphore_mem>> -> memref<1x!tpu.dma_semaphore, #tpu.memory_space<semaphore_mem>>
    %dma_wait3A_219 = tpu.memref_squeeze %dma_wait3A_218 : memref<1x!tpu.dma_semaphore, #tpu.memory_space<semaphore_mem>> -> memref<!tpu.dma_semaphore, #tpu.memory_space<semaphore_mem>>
    tpu.wait_indirect_dma semaphore(%dma_wait3A_219 : memref<!tpu.dma_semaphore, #tpu.memory_space<semaphore_mem>>) src(%dma_wait3A_211 : memref<128x64xf32, #tpu.memory_space<vmem>>) dst(%dma_wait3A_217 : memref<10000x64xf32, #tpu.memory_space<vmem_shared>>)
    %dma_wait3A_220 = arith.constant 0 : i32
    %dma_wait3A_221 = arith.constant 0 : i32
    %dma_wait3A_222 = arith.constant 0 : i32
    %dma_wait3A_223 = arith.constant 128 : i32
    %dma_wait3A_224 = arith.constant 0 : i32
    %dma_wait3A_225 = tpu.memref_slice %arg7[%dma_wait3A_220, %dma_wait3A_223, %dma_wait3A_224] : memref<4x256x64xf32, #tpu.memory_space<vmem>> -> memref<1x128x64xf32, #tpu.memory_space<vmem>>
    %dma_wait3A_226 = tpu.memref_squeeze %dma_wait3A_225 : memref<1x128x64xf32, #tpu.memory_space<vmem>> -> memref<128x64xf32, #tpu.memory_space<vmem>>
    %dma_wait3A_227 = arith.constant 0 : i32
    %dma_wait3A_228 = tpu.memref_slice %arg8[%dma_wait3A_221, %dma_wait3A_227] : memref<157x128xi32, #tpu.memory_space<vmem>> -> memref<1x128xi32, #tpu.memory_space<vmem>>
    %dma_wait3A_229 = tpu.memref_squeeze %dma_wait3A_228 : memref<1x128xi32, #tpu.memory_space<vmem>> -> memref<128xi32, #tpu.memory_space<vmem>>
    %dma_wait3A_230 = arith.constant 0 : i32
    %dma_wait3A_231 = arith.constant 0 : i32
    %dma_wait3A_232 = tpu.memref_slice %arg6[%dma_wait3A_230, %dma_wait3A_231] : memref<10000x64xf32, #tpu.memory_space<vmem_shared>> -> memref<10000x64xf32, #tpu.memory_space<vmem_shared>>
    %dma_wait3A_233 = tpu.memref_slice %arg10[%dma_wait3A_222] : memref<4x!tpu.dma_semaphore, #tpu.memory_space<semaphore_mem>> -> memref<1x!tpu.dma_semaphore, #tpu.memory_space<semaphore_mem>>
    %dma_wait3A_234 = tpu.memref_squeeze %dma_wait3A_233 : memref<1x!tpu.dma_semaphore, #tpu.memory_space<semaphore_mem>> -> memref<!tpu.dma_semaphore, #tpu.memory_space<semaphore_mem>>
    tpu.wait_indirect_dma semaphore(%dma_wait3A_234 : memref<!tpu.dma_semaphore, #tpu.memory_space<semaphore_mem>>) src(%dma_wait3A_226 : memref<128x64xf32, #tpu.memory_space<vmem>>) dst(%dma_wait3A_232 : memref<10000x64xf32, #tpu.memory_space<vmem_shared>>)
    %dma_wait3A_235 = arith.constant 1 : i32
    %dma_wait3A_236 = arith.constant 0 : i32
    %dma_wait3A_237 = arith.constant 1 : i32
    %dma_wait3A_238 = arith.constant 0 : i32
    %dma_wait3A_239 = arith.constant 0 : i32
    %dma_wait3A_240 = tpu.memref_slice %arg7[%dma_wait3A_235, %dma_wait3A_238, %dma_wait3A_239] : memref<4x256x64xf32, #tpu.memory_space<vmem>> -> memref<1x128x64xf32, #tpu.memory_space<vmem>>
    %dma_wait3A_241 = tpu.memref_squeeze %dma_wait3A_240 : memref<1x128x64xf32, #tpu.memory_space<vmem>> -> memref<128x64xf32, #tpu.memory_space<vmem>>
    %dma_wait3A_242 = arith.constant 0 : i32
    %dma_wait3A_243 = tpu.memref_slice %arg8[%dma_wait3A_236, %dma_wait3A_242] : memref<157x128xi32, #tpu.memory_space<vmem>> -> memref<1x128xi32, #tpu.memory_space<vmem>>
    %dma_wait3A_244 = tpu.memref_squeeze %dma_wait3A_243 : memref<1x128xi32, #tpu.memory_space<vmem>> -> memref<128xi32, #tpu.memory_space<vmem>>
    %dma_wait3A_245 = arith.constant 0 : i32
    %dma_wait3A_246 = arith.constant 0 : i32
    %dma_wait3A_247 = tpu.memref_slice %arg6[%dma_wait3A_245, %dma_wait3A_246] : memref<10000x64xf32, #tpu.memory_space<vmem_shared>> -> memref<10000x64xf32, #tpu.memory_space<vmem_shared>>
    %dma_wait3A_248 = tpu.memref_slice %arg10[%dma_wait3A_237] : memref<4x!tpu.dma_semaphore, #tpu.memory_space<semaphore_mem>> -> memref<1x!tpu.dma_semaphore, #tpu.memory_space<semaphore_mem>>
    %dma_wait3A_249 = tpu.memref_squeeze %dma_wait3A_248 : memref<1x!tpu.dma_semaphore, #tpu.memory_space<semaphore_mem>> -> memref<!tpu.dma_semaphore, #tpu.memory_space<semaphore_mem>>
    tpu.wait_indirect_dma semaphore(%dma_wait3A_249 : memref<!tpu.dma_semaphore, #tpu.memory_space<semaphore_mem>>) src(%dma_wait3A_241 : memref<128x64xf32, #tpu.memory_space<vmem>>) dst(%dma_wait3A_247 : memref<10000x64xf32, #tpu.memory_space<vmem_shared>>)
    %dma_wait3A_250 = arith.constant 1 : i32
    %dma_wait3A_251 = arith.constant 0 : i32
    %dma_wait3A_252 = arith.constant 1 : i32
    %dma_wait3A_253 = arith.constant 128 : i32
    %dma_wait3A_254 = arith.constant 0 : i32
    %dma_wait3A_255 = tpu.memref_slice %arg7[%dma_wait3A_250, %dma_wait3A_253, %dma_wait3A_254] : memref<4x256x64xf32, #tpu.memory_space<vmem>> -> memref<1x128x64xf32, #tpu.memory_space<vmem>>
    %dma_wait3A_256 = tpu.memref_squeeze %dma_wait3A_255 : memref<1x128x64xf32, #tpu.memory_space<vmem>> -> memref<128x64xf32, #tpu.memory_space<vmem>>
    %dma_wait3A_257 = arith.constant 0 : i32
    %dma_wait3A_258 = tpu.memref_slice %arg8[%dma_wait3A_251, %dma_wait3A_257] : memref<157x128xi32, #tpu.memory_space<vmem>> -> memref<1x128xi32, #tpu.memory_space<vmem>>
    %dma_wait3A_259 = tpu.memref_squeeze %dma_wait3A_258 : memref<1x128xi32, #tpu.memory_space<vmem>> -> memref<128xi32, #tpu.memory_space<vmem>>
    %dma_wait3A_260 = arith.constant 0 : i32
    %dma_wait3A_261 = arith.constant 0 : i32
    %dma_wait3A_262 = tpu.memref_slice %arg6[%dma_wait3A_260, %dma_wait3A_261] : memref<10000x64xf32, #tpu.memory_space<vmem_shared>> -> memref<10000x64xf32, #tpu.memory_space<vmem_shared>>
    %dma_wait3A_263 = tpu.memref_slice %arg10[%dma_wait3A_252] : memref<4x!tpu.dma_semaphore, #tpu.memory_space<semaphore_mem>> -> memref<1x!tpu.dma_semaphore, #tpu.memory_space<semaphore_mem>>
    %dma_wait3A_264 = tpu.memref_squeeze %dma_wait3A_263 : memref<1x!tpu.dma_semaphore, #tpu.memory_space<semaphore_mem>> -> memref<!tpu.dma_semaphore, #tpu.memory_space<semaphore_mem>>
    tpu.wait_indirect_dma semaphore(%dma_wait3A_264 : memref<!tpu.dma_semaphore, #tpu.memory_space<semaphore_mem>>) src(%dma_wait3A_256 : memref<128x64xf32, #tpu.memory_space<vmem>>) dst(%dma_wait3A_262 : memref<10000x64xf32, #tpu.memory_space<vmem_shared>>)
    %lt3A_265 = arith.constant 4 : i32
    %lt3A_266 = arith.cmpi slt, %arg1, %lt3A_265 : i32
    %convert_element_type3A_267 = arith.extui %lt3A_266 : i1 to i32
    %cond3A_268 = arith.constant 0 : i32
    %cond3A_269 = arith.cmpi ne, %convert_element_type3A_267, %cond3A_268 : i32
    scf.if %cond3A_269 {
      %add3A_277 = arith.constant 156 : i32
      %add3A_278 = arith.addi %add3A, %add3A_277 : i32
      %mul3A_279 = arith.constant 128 : i32
      %mul3A_280 = arith.muli %add3A_278, %mul3A_279 : i32
      %mul3A_281 = arith.constant 64 : i32
      %mul3A_282 = arith.muli %arg0, %mul3A_281 : i32
      %run_scoped3A = arith.constant 0 : i32
      "tpu.region"() ({
        %run_scoped3A_285 = tpu.sem_alloc : memref<!tpu.dma_semaphore, #tpu.memory_space<semaphore_mem>>
        %dma_start3A_286 = arith.constant 0 : i32
        %dma_start3A_287 = arith.constant 0 : i32
        %dma_start3A_288 = tpu.memref_slice %arg7[%run_scoped3A, %dma_start3A_286, %dma_start3A_287] : memref<4x256x64xf32, #tpu.memory_space<vmem>> -> memref<1x128x64xf32, #tpu.memory_space<vmem>>
        %dma_start3A_289 = tpu.memref_squeeze %dma_start3A_288 : memref<1x128x64xf32, #tpu.memory_space<vmem>> -> memref<128x64xf32, #tpu.memory_space<vmem>>
        %dma_start3A_290 = tpu.memref_slice %arg2[%mul3A_280, %mul3A_282] : memref<320000x128xf32, #tpu.memory_space<hbm>> -> memref<128x64xf32, #tpu.memory_space<hbm>>
        %dma_start3A_291 = arith.constant 0 : i32
        %dma_start3A_292 = arith.constant 0 : i32
        %dma_start3A_293 = tpu.memref_slice %arg7[%run_scoped3A, %dma_start3A_291, %dma_start3A_292] : memref<4x256x64xf32, #tpu.memory_space<vmem>> -> memref<1x128x64xf32, #tpu.memory_space<vmem>>
        %dma_start3A_294 = tpu.memref_squeeze %dma_start3A_293 : memref<1x128x64xf32, #tpu.memory_space<vmem>> -> memref<128x64xf32, #tpu.memory_space<vmem>>
        %dma_start3A_295 = tpu.memref_slice %arg2[%mul3A_280, %mul3A_282] : memref<320000x128xf32, #tpu.memory_space<hbm>> -> memref<128x64xf32, #tpu.memory_space<hbm>>
        tpu.enqueue_dma source(%dma_start3A_295 : memref<128x64xf32, #tpu.memory_space<hbm>>) target(%dma_start3A_294 : memref<128x64xf32, #tpu.memory_space<vmem>>) target_semaphore(%run_scoped3A_285 : memref<!tpu.dma_semaphore, #tpu.memory_space<semaphore_mem>>)
        %dma_wait3A_296 = arith.constant 0 : i32
        %dma_wait3A_297 = arith.constant 0 : i32
        %dma_wait3A_298 = tpu.memref_slice %arg7[%run_scoped3A, %dma_wait3A_296, %dma_wait3A_297] : memref<4x256x64xf32, #tpu.memory_space<vmem>> -> memref<1x128x64xf32, #tpu.memory_space<vmem>>
        %dma_wait3A_299 = tpu.memref_squeeze %dma_wait3A_298 : memref<1x128x64xf32, #tpu.memory_space<vmem>> -> memref<128x64xf32, #tpu.memory_space<vmem>>
        %dma_wait3A_300 = tpu.memref_slice %arg2[%mul3A_280, %mul3A_282] : memref<320000x128xf32, #tpu.memory_space<hbm>> -> memref<128x64xf32, #tpu.memory_space<hbm>>
        %dma_wait3A_301 = arith.constant 0 : i32
        %dma_wait3A_302 = arith.constant 0 : i32
        %dma_wait3A_303 = tpu.memref_slice %arg7[%run_scoped3A, %dma_wait3A_301, %dma_wait3A_302] : memref<4x256x64xf32, #tpu.memory_space<vmem>> -> memref<1x128x64xf32, #tpu.memory_space<vmem>>
        %dma_wait3A_304 = tpu.memref_squeeze %dma_wait3A_303 : memref<1x128x64xf32, #tpu.memory_space<vmem>> -> memref<128x64xf32, #tpu.memory_space<vmem>>
        %dma_wait3A_305 = tpu.memref_slice %arg2[%mul3A_280, %mul3A_282] : memref<320000x128xf32, #tpu.memory_space<hbm>> -> memref<128x64xf32, #tpu.memory_space<hbm>>
        tpu.wait_dma2 semaphore(%run_scoped3A_285 : memref<!tpu.dma_semaphore, #tpu.memory_space<semaphore_mem>>) src(%dma_wait3A_305 : memref<128x64xf32, #tpu.memory_space<hbm>>) dst(%dma_wait3A_304 : memref<128x64xf32, #tpu.memory_space<vmem>>)
        tpu.yield
      }) : () -> ()
      %run_scoped3A_283 = arith.constant 0 : i32
      %run_scoped3A_284 = arith.constant 156 : i32
      "tpu.region"() ({
        %run_scoped3A_285 = tpu.sem_alloc : memref<!tpu.dma_semaphore, #tpu.memory_space<semaphore_mem>>
        %dma_start3A_286 = arith.constant 0 : i32
        %dma_start3A_287 = arith.constant 0 : i32
        %dma_start3A_288 = tpu.memref_slice %arg7[%run_scoped3A_283, %dma_start3A_286, %dma_start3A_287] : memref<4x256x64xf32, #tpu.memory_space<vmem>> -> memref<1x128x64xf32, #tpu.memory_space<vmem>>
        %dma_start3A_289 = tpu.memref_squeeze %dma_start3A_288 : memref<1x128x64xf32, #tpu.memory_space<vmem>> -> memref<128x64xf32, #tpu.memory_space<vmem>>
        %dma_start3A_290 = arith.constant 0 : i32
        %dma_start3A_291 = tpu.memref_slice %arg8[%run_scoped3A_284, %dma_start3A_290] : memref<157x128xi32, #tpu.memory_space<vmem>> -> memref<1x128xi32, #tpu.memory_space<vmem>>
        %dma_start3A_292 = tpu.memref_squeeze %dma_start3A_291 : memref<1x128xi32, #tpu.memory_space<vmem>> -> memref<128xi32, #tpu.memory_space<vmem>>
        %dma_start3A_293 = arith.constant 0 : i32
        %dma_start3A_294 = arith.constant 0 : i32
        %dma_start3A_295 = tpu.memref_slice %arg6[%dma_start3A_293, %dma_start3A_294] : memref<10000x64xf32, #tpu.memory_space<vmem_shared>> -> memref<10000x64xf32, #tpu.memory_space<vmem_shared>>
        tpu.enqueue_indirect_dma source(%dma_start3A_289 : memref<128x64xf32, #tpu.memory_space<vmem>>) target(%dma_start3A_295 : memref<10000x64xf32, #tpu.memory_space<vmem_shared>>) offsets(%dma_start3A_292 : memref<128xi32, #tpu.memory_space<vmem>>) semaphore(%run_scoped3A_285 : memref<!tpu.dma_semaphore, #tpu.memory_space<semaphore_mem>>) {add = true}
        %dma_wait3A_296 = arith.constant 0 : i32
        %dma_wait3A_297 = arith.constant 0 : i32
        %dma_wait3A_298 = tpu.memref_slice %arg7[%run_scoped3A_283, %dma_wait3A_296, %dma_wait3A_297] : memref<4x256x64xf32, #tpu.memory_space<vmem>> -> memref<1x128x64xf32, #tpu.memory_space<vmem>>
        %dma_wait3A_299 = tpu.memref_squeeze %dma_wait3A_298 : memref<1x128x64xf32, #tpu.memory_space<vmem>> -> memref<128x64xf32, #tpu.memory_space<vmem>>
        %dma_wait3A_300 = arith.constant 0 : i32
        %dma_wait3A_301 = tpu.memref_slice %arg8[%run_scoped3A_284, %dma_wait3A_300] : memref<157x128xi32, #tpu.memory_space<vmem>> -> memref<1x128xi32, #tpu.memory_space<vmem>>
        %dma_wait3A_302 = tpu.memref_squeeze %dma_wait3A_301 : memref<1x128xi32, #tpu.memory_space<vmem>> -> memref<128xi32, #tpu.memory_space<vmem>>
        %dma_wait3A_303 = arith.constant 0 : i32
        %dma_wait3A_304 = arith.constant 0 : i32
        %dma_wait3A_305 = tpu.memref_slice %arg6[%dma_wait3A_303, %dma_wait3A_304] : memref<10000x64xf32, #tpu.memory_space<vmem_shared>> -> memref<10000x64xf32, #tpu.memory_space<vmem_shared>>
        tpu.wait_indirect_dma semaphore(%run_scoped3A_285 : memref<!tpu.dma_semaphore, #tpu.memory_space<semaphore_mem>>) src(%dma_wait3A_299 : memref<128x64xf32, #tpu.memory_space<vmem>>) dst(%dma_wait3A_305 : memref<10000x64xf32, #tpu.memory_space<vmem_shared>>)
        tpu.yield
      }) : () -> ()
    } else {
    }
    %barrier3A_270 = arith.constant 0 : index
    tpu.barrier barrier_id(%barrier3A_270)
    %mul3A_271 = arith.constant 625 : i32
    %mul3A_272 = arith.muli %arg1, %mul3A_271 : i32
    %mul3A_273 = arith.constant 625 : i32
    %mul3A_274 = arith.muli %arg1, %mul3A_273 : i32
    %mul3A_275 = arith.constant 64 : i32
    %mul3A_276 = arith.muli %arg0, %mul3A_275 : i32
    "tpu.region"() ({
      %run_scoped3A = tpu.sem_alloc : memref<!tpu.dma_semaphore, #tpu.memory_space<semaphore_mem>>
      %dma_start3A_277 = tpu.memref_slice %arg5[%mul3A_274, %mul3A_276] : memref<10000x128xf32, #tpu.memory_space<hbm>> -> memref<625x64xf32, #tpu.memory_space<hbm>>
      %dma_start3A_278 = arith.constant 0 : i32
      %dma_start3A_279 = tpu.memref_slice %arg6[%mul3A_272, %dma_start3A_278] : memref<10000x64xf32, #tpu.memory_space<vmem_shared>> -> memref<625x64xf32, #tpu.memory_space<vmem_shared>>
      tpu.enqueue_dma source(%dma_start3A_279 : memref<625x64xf32, #tpu.memory_space<vmem_shared>>) target(%dma_start3A_277 : memref<625x64xf32, #tpu.memory_space<hbm>>) target_semaphore(%run_scoped3A : memref<!tpu.dma_semaphore, #tpu.memory_space<semaphore_mem>>)
      %dma_wait3A_280 = tpu.memref_slice %arg5[%mul3A_274, %mul3A_276] : memref<10000x128xf32, #tpu.memory_space<hbm>> -> memref<625x64xf32, #tpu.memory_space<hbm>>
      %dma_wait3A_281 = arith.constant 0 : i32
      %dma_wait3A_282 = tpu.memref_slice %arg6[%mul3A_272, %dma_wait3A_281] : memref<10000x64xf32, #tpu.memory_space<vmem_shared>> -> memref<625x64xf32, #tpu.memory_space<vmem_shared>>
      tpu.wait_dma2 semaphore(%run_scoped3A : memref<!tpu.dma_semaphore, #tpu.memory_space<semaphore_mem>>) src(%dma_wait3A_282 : memref<625x64xf32, #tpu.memory_space<vmem_shared>>) dst(%dma_wait3A_280 : memref<625x64xf32, #tpu.memory_space<hbm>>)
      tpu.yield
    }) : () -> ()
    return
  }
}

</mosaic_0001>

<sc_bundles>
// kernel: kernel.3.cloned.1.call-start
scs
__scs_entry_jumppad:
0x0: {  	(pc) =	sbr.rel $0x88, $3  }
0x1: {  	(tag) =	ssettag $0x0;
	lr =	simm.s32 $0x1  }
0x2: {  	[smem:$0x3F9F] =	sst lr;
	_ =	strace $0xD0000000  }
0x3: {  	_ = 	snop  }
0x4: {  	_ = 	snop  }
0x5: {  	_ = 	snop  }
0x6: {  	_ = 	snop  }
0x7: {  	_ = 	snop  }
__scs_overlays_trampoline_lowered:
0x8: {  	[smem:$0x3FAE] =	sst s0  }
0x9: {  	[smem:$0x3FAF] =	sst s1  }
0xa: {  	[smem:$0x3FB0] =	sst s2  }
0xb: {  	[smem:$0x3FB1] =	sst s3  }
0xc: {  	[smem:$0x3FB2] =	sst s4  }
0xd: {  	[smem:$0x3FB3] =	sst s5  }
0xe: {  	[smem:$0x3FB4] =	sst s6  }
0xf: {  	[smem:$0x3FB5] =	sst s7  }
0x10: {  	[smem:$0x3FB6] =	sst s8  }
0x11: {  	[smem:$0x3FB7] =	sst s9;
	s0 =	simm.s32 @!p0 $0x0  }
0x12: {  	s1 =	sld [smem:$0x3F9D];
	s0 =	simm.s32 @p0 $0x1  }
0x13: {  	[smem:$0x3FB8] =	sst s0;
	s0 =	simm.s32 @!p1 $0x0  }
0x14: {  	s2 =	sld [smem:$0x3F9C];
	s0 =	simm.s32 @p1 $0x1  }
0x15: {  	[smem:$0x3FB9] =	sst s0;
	s0 =	simm.s32 @!p2 $0x0  }
0x16: {  	s3 =	sld [smem:$0x3FDB];
	s0 =	simm.s32 @p2 $0x1  }
0x17: {  	s4 =	simm.s32 $0x1BF5;
	[smem:$0x3FBB] =	sst s0  }
0x18: {  	s0 =	sld [smem:$0x3F9E];
	_ =	swait.ge [sflag:s4], $0x0  }
0x19: {  	s7 =	sld [smem:$0x3F9F]  }
0x1a: {  	s8 =	sadd.s32 $0xFFFFE003, lr  }
0x1b: {  	s9 =	sadd.s32 $0xFFFFFEF7, lr;
	s5 =	simm.s32 $0xFFFFFFFF;
	p2 =	slt.u32 s8, $0xFFFFF086  }
0x1c: {  	p1 =	slt.u32 s9, $0xF7A;
	s5 =	simm.s32 @!p2 $0x0  }
0x1d: {  	s5 =	simm.s32 @p1 $0x1;
	p0 =	seq.s32 s7, s2  }
0x1e: {  	s7 =	smul.u32 @!p0 $0xF7A, s2;
	p2 =	seq.s32 @!p0 s5, $0x0  }
0x1f: {  	s9 =	smul.u32 $0xF7A, s1;
	s8 =	simm.s32 @!p0 $0x1BF5;
	p2 =	por !p2, p0  }
0x20: {  	[sflag:s8] =	ssyncset.s32 @!p0 $0xFFFFF086;
	s6 =	sadd.s32 @!p0 s3, s7;
	s7 =	simm.s32 @!p0 $0x108  }
0x21: {  	s3 =	sadd.s32 s3, s9;
	s6 =	sadd.s32 @!p0 $0x88, s6;
	s7 =	simm.s32 @p2 $0x1082  }
0x22: {  	[simem:s7], [sflag:s8] =	dma.local @!p0 [hbm:s6], $0xF7A  }
0x23: {  	s9 =	sor.u32 $0xD0000000, s2;
	s6 =	simm.s32 $0x108;
	_ =	swait.ge @!p0 [sflag:s8], $0x0  }
0x24: {  	s3 =	sadd.s32 $0x88, s3;
	s6 =	simm.s32 @!p1 $0x1082;
	[sflag:s4] =	ssyncset.s32 $0xFFFFF086  }
0x25: {  	[simem:s6], [sflag:s4] =	dma.local [hbm:s3], $0xF7A  }
0x26: {  	[smem:$0x3F9F] =	sst s1;
	(tag) =	ssettag s2;
	_ =	strace s9  }
0x27: {  	s1 =	sld [smem:$0x3FAF]  }
0x28: {  	s2 =	sld [smem:$0x3FB0]  }
0x29: {  	s4 =	sld [smem:$0x3FB2]  }
0x2a: {  	p0 =	seq.s32 s5, $0x0;
	s5 =	sld [smem:$0x3FB3]  }
0x2b: {  	s6 =	sld [smem:$0x3FB4]  }
0x2c: {  	s7 =	sld [smem:$0x3FB5]  }
0x2d: {  	s3 =	simm.s32 $0x108;
	s8 =	sld [smem:$0x3FB6]  }
0x2e: {  	s3 =	simm.s32 @!p0 $0x1082;
	s9 =	sld [smem:$0x3FB7]  }
0x2f: {  	lr =	sadd.s32 s0, s3;
	s0 =	sld [smem:$0x3FAE]  }
0x30: {  	s3 =	sld [smem:$0x3FB1]  }
0x31: {  	[smem:$0x3FBA] =	sst s10  }
0x32: {  	s10 =	sld [smem:$0x3FB8];
	_ =	sdelay $0x3  }
0x33: {  	p0 =	seq.s32 s10, $0x1;
	s10 =	sld [smem:$0x3FBA];
	_ =	sdelay $0x3  }
0x34: {  	[smem:$0x3FBA] =	sst s10  }
0x35: {  	s10 =	sld [smem:$0x3FB9];
	_ =	sdelay $0x3  }
0x36: {  	p1 =	seq.s32 s10, $0x1;
	s10 =	sld [smem:$0x3FBA];
	_ =	sdelay $0x3  }
0x37: {  	[smem:$0x3FBA] =	sst s10  }
0x38: {  	s10 =	sld [smem:$0x3FBB]  }
0x39: {  	_ = 	snop;
	(pc) =	sbr.ind lr, $3  }
0x3a: {  	_ = 	snop  }
0x3b: {  	_ = 	snop  }
0x3c: {  	p2 =	seq.s32 s10, $0x1;
	s10 =	sld [smem:$0x3FBA]  }
0x3d: {  	_ =	shalt  }
0x3e: {  	_ =	shalt  }
0x3f: {  	_ =	shalt  }
0x40: {  	_ =	shalt  }
0x41: {  	_ =	shalt  }
0x42: {  	_ =	shalt  }
0x43: {  	_ =	shalt  }
0x44: {  	_ =	shalt  }
0x45: {  	_ =	shalt  }
0x46: {  	_ =	shalt  }
0x47: {  	_ =	shalt  }
0x48: {  	_ =	shalt  }
0x49: {  	_ =	shalt  }
0x4a: {  	_ =	shalt  }
0x4b: {  	_ =	shalt  }
0x4c: {  	_ =	shalt  }
0x4d: {  	_ =	shalt  }
0x4e: {  	_ =	shalt  }
0x4f: {  	_ =	shalt  }
0x50: {  	_ =	shalt  }
0x51: {  	_ =	shalt  }
0x52: {  	_ =	shalt  }
0x53: {  	_ =	shalt  }
0x54: {  	_ =	shalt  }
0x55: {  	_ =	shalt  }
0x56: {  	_ =	shalt  }
0x57: {  	_ =	shalt  }
0x58: {  	_ =	shalt  }
0x59: {  	_ =	shalt  }
0x5a: {  	_ =	shalt  }
0x5b: {  	_ =	shalt  }
0x5c: {  	_ =	shalt  }
0x5d: {  	_ =	shalt  }
0x5e: {  	_ =	shalt  }
0x5f: {  	_ =	shalt  }
0x60: {  	_ =	shalt  }
0x61: {  	_ =	shalt  }
0x62: {  	_ =	shalt  }
0x63: {  	_ =	shalt  }
0x64: {  	_ =	shalt  }
0x65: {  	_ =	shalt  }
0x66: {  	_ =	shalt  }
0x67: {  	_ =	shalt  }
0x68: {  	_ =	shalt  }
0x69: {  	_ =	shalt  }
0x6a: {  	_ =	shalt  }
0x6b: {  	_ =	shalt  }
0x6c: {  	_ =	shalt  }
0x6d: {  	_ =	shalt  }
0x6e: {  	_ =	shalt  }
0x6f: {  	_ =	shalt  }
0x70: {  	_ =	shalt  }
0x71: {  	_ =	shalt  }
0x72: {  	_ =	shalt  }
0x73: {  	_ =	shalt  }
0x74: {  	_ =	shalt  }
0x75: {  	_ =	shalt  }
0x76: {  	_ =	shalt  }
0x77: {  	_ =	shalt  }
0x78: {  	_ =	shalt  }
0x79: {  	_ =	shalt  }
0x7a: {  	_ =	shalt  }
0x7b: {  	_ =	shalt  }
0x7c: {  	_ =	shalt  }
0x7d: {  	_ =	shalt  }
0x7e: {  	_ =	shalt  }
0x7f: {  	_ =	shalt  }
0x80: {  	_ =	shalt  }
0x81: {  	_ =	shalt  }
0x82: {  	_ =	shalt  }
0x83: {  	_ =	shalt  }
0x84: {  	_ =	shalt  }
0x85: {  	_ =	shalt  }
0x86: {  	_ =	shalt  }
0x87: {  	_ =	shalt  }
.Lfunc_end0:
.L_simem_size_0:
called_computation_lowered:
.L_overlay_start_0:
0x88: {  	s2 =	sld [smem:$0x3FD9]  }
0x89: {  	s3 =	sld [smem:$0x3FFE];
	_ =	sdelay $0x1  }
0x8a: {  	s1 =	srdreg.scid  }
0x8b: {  	s0 =	sand.u32 $0x1, s1  }
0x8c: {  	s17 =	sshll.u32 s0, $0xA;
	s2 =	sadd.s32 s3, s2  }
0x8d: {  	s2 =	sadd.s32 s2, s17  }
0x8e: {  	[smem:$0x3FC6] =	sst s2  }
0x8f: {  	_ = 	snop  }
0x90: {  	s2 =	sld [smem:$0x3FC9]  }
0x91: {  	s18 =	sld [smem:$0x3FC8]  }
0x92: {  	s4 =	sld [smem:$0x3FD0];
	(tm) =	ssettm $0x1  }
0x93: {  	s5 =	sld [smem:$0x3FFB];
	_ =	sdelay $0x3  }
0x94: {  	_ =	strace s5  }
0x95: {  	s5 =	sld [smem:$0x3FFC];
	_ =	sdelay $0x3  }
0x96: {  	_ =	strace s5  }
0x97: {  	s5 =	sld [smem:$0x3FFD];
	_ =	sdelay $0x3  }
0x98: {  	_ =	strace s5  }
0x99: {  	_ =	strace $0x8FFFFFFF  }
0x9a: {  	s19 =	sld [smem:$0x3FDB];
	_ =	sdelay $0x1  }
0x9b: {  	s6 =	simm.s32 $_scs_section_size  }
0x9c: {  	s7 =	simm.s32 $_size__tile_overlayer_lowered;
	s8 =	simm.s32 $_tile_overlayer_lowered  }
0x9d: {  	s22 =	simm.s32 $0x1BFF;
	s21 =	sshll.u32 s8, $0x1;
	s5 =	sadd.s32 s6, s19  }
0x9e: {  	s9 =	simm.s32 $0x0;
	s20 =	sshll.u32 s7, $0x1;
	s7 =	sadd.s32 s21, s5  }
0x9f: {  	[timem:s9], [sflag:s22] =	dma.local [hbm:s7], s20  }
0xa0: {  	_ =	swait.ge [sflag:s22], s20  }
0xa1: {  	s6 =	ssub.s32 $0x0, s20;
	[sflag:s22] =	ssyncset.done $0x0  }
0xa2: {  	[sflag:s22] =	ssyncadd.s32 s6;
	_ =	sdelay $0x1  }
0xa3: {  	s23 =	simm.s32 $0x1B8B  }
0xa4: {  	_ =	swait.ge [sflag:s23], $0x1  }
0xa5: {  	[sflag:s23] =	ssyncset.done $0x0  }
0xa6: {  	s25 =	simm.s32 $0x1B8E;
	s24 =	sld [smem:$0x3FFE];
	[sflag:s23] =	ssyncadd.s32 $0xFFFFFFFF  }
0xa7: {  	s26 =	simm.s32 $execute0_lowered;
	[smem:$0x3FD2] =	sst s25  }
0xa8: {  	s7 =	sshll.u32 s26, $0x1;
	_ =	strace $0x80000046;
	[dreg:$0x1] =	wrdreg $0xFFFFFFFF  }
0xa9: {  	s28 =	simm.s32 $_size_execute0_lowered;
	s5 =	sadd.s32 s5, s7;
	[dreg:$0x0] =	wrdreg $0x0  }
0xaa: {  	s7 =	sshll.u32 s28, $0x1;
	[dreg:$0x2] =	wrdreg s5  }
0xab: {  	[dreg:$0x3] =	wrdreg s7  }
0xac: {  	[dreg:$0x4] =	wrdreg $0xC0  }
0xad: {  	_ =	task [dreg:s9], $0x5FFFF  }
0xae: {  	[dreg:$0x1] =	wrdreg $0xFFFFFFFF  }
0xaf: {  	[dreg:$0x0] =	wrdreg $0x60  }
0xb0: {  	[dreg:$0x2] =	wrdreg s2  }
0xb1: {  	[dreg:$0x3] =	wrdreg s18  }
0xb2: {  	[dreg:$0x4] =	wrdreg s24  }
0xb3: {  	[dreg:$0x5] =	wrdreg s4  }
0xb4: {  	[dreg:$0x6] =	wrdreg $0x0  }
0xb5: {  	[dreg:$0x7] =	wrdreg $0x9  }
0xb6: {  	_ =	task.clear_ibuf [dreg:s9], $0x8FFFF;
	_ =	strace $0x90000046  }
0xb7: {  	s29 =	simm.s32 $0x9;
	_ =	strace $0x80000048  }
0xb8: {  	_ =	swait.ge [sflag:s29], $0x1  }
0xb9: {  	[sflag:s29] =	ssyncadd.s32 $0xFFFFFFFF  }
0xba: {  	_ =	strace $0x90000048  }
0xbb: {  	_ =	sfence  }
0xbc: {  	s30 =	sld [smem:$0x0];
	_ =	sdelay $0x2  }
0xbd: {  	s31 =	sshll.u32 s1, $0xD;
	s1 =	sshrl.u32 s1, $0x2  }
0xbe: {  	s3 =	sand.u32 $0x4000, s31;
	s1 =	sadd.s32 s1, s30  }
0xbf: {  	s0 =	sor.u32 s3, s0;
	s1 =	sshll.u32 s1, $0x11  }
0xc0: {  	s0 =	sor.u32 s1, s0  }
0xc1: {  	s0 =	sadd.s32 $0x8F2B, s0  }
0xc2: {  	[sflag:s0] =	ssyncadd.remote.s32 $0x1  }
0xc3: {  	_ =	sfence.sel $0xFFFF  }
0xc4: {  	[dreg:$0x0] =	wrdreg $0xFFFFFFFF;
	(pc) =	sbr.abs _section_cstart, $3  }
0xc5: {  	[dreg:$0x1] =	wrdreg $0xFFFFFFFF  }
0xc6: {  	_ =	task.clear_ibuf [dreg:s9], $0x2FFFF;
	_ =	strace $0x9FFFFFFF  }
0xc7: {  	(tm) =	ssettm $0x7FFFFFFF  }
tec
execute0_lowered:
.L_overlay_start_1:
0x0: {  	(tag) =	ssettag $0x1  }
0x1: {  	s1 =	rddreg [dreg:$0x0]  }
0x2: {  	s0 =	rddreg [dreg:$0x1]  }
0x3: {  	s2 =	rddreg [dreg:$0x2]  }
0x4: {  	s4 =	rddreg [dreg:$0x3]  }
0x5: {  	s12 =	stileid.u32;
	s3 =	rddreg [dreg:$0x4]  }
0x6: {  	s6 =	srdreg.scid;
	s10 =	simm.s32 $0x0;
	s16 =	simm.s32 $0x40  }
0x7: {  	s28 =	simm.s32 $0x11C40;
	s29 =	simm.s32 $0xFC40;
	s5 =	smul.u32 $0x9C, s12  }
0x8: {  	s30 =	simm.s32 $0x3;
	s31 =	simm.s32 $0x15C40;
	s25 =	smul.u32 $0x27100, s12  }
0x9: {  	s7 =	smin.u32 s12, $0x4;
	s6 =	sand.u32 $0x1, s6;
	s26 =	smul.u32 $0x270000, s12  }
0xa: {  	[smem:$0x7FF] =	sst s10;
	s2 =	sadd.s32 $0x400, s2;
	s14 =	smul.u32 $0x13880, s12  }
0xb: {  	p0 =	sgt.u32 s12, $0x3;
	s9 =	sshll.u32 s6, $0x6;
	s6 =	ssub.s32 $0x2, s6  }
0xc: {  	_ =	strace $0x80000047;
	[dreg:$0x8] =	wrdreg s2;
	s8 =	sadd.s32 s7, s5  }
0xd: {  	s17 =	sshrl.u32 s6, $0x1;
	s13 =	sshrl.u32 s25, $0x2;
	s25 =	simm.s32 $0x13C40  }
0xe: {  	s5 =	sshll.u32 s8, $0xE;
	s18 =	ssub.s32 s6, s17;
	s8 =	sshll.u32 s8, $0x4  }
0xf: {  	s15 =	sadd.s32 s13, s3;
	s17 =	simm.s32 $0x80;
	[dreg:$0x6] =	wrdreg s25  }
0x10: {  	s25 =	simm.s32 $0xBC40;
	s5 =	sor.u32 s9, s5;
	s8 =	sadd.s32 s0, s8  }
0x11: {  	s2 =	smax.u32 s18, $0x1;
	s18 =	simm.s32 $0x9C40;
	s11 =	sshrl.u32 s5, $0x3  }
0x12: {  	s24 =	sadd.s32 $0x8000, s5;
	[dreg:$0xa] =	wrdreg s8;
	s8 =	sadd.s32 $0x9C0, s8  }
0x13: {  	s19 =	sadd.s32 $0x270000, s5;
	[dreg:$0xf] =	wrdreg s2;
	s2 =	simm.s32 $0x5  }
0x14: {  	s23 =	sadd.s32 s1, s11;
	s6 =	sshrl.u32 s24, $0x3;
	[dreg:$0xc] =	wrdreg s8  }
0x15: {  	s11 =	sshll.u32 s7, $0xE;
	s7 =	sshrl.u32 s19, $0x3;
	s8 =	sor.u32 s9, s14  }
0x16: {  	s19 =	simm.s32 $0xDC40;
	s24 =	sshll.u32 s12, $0x6;
	[dreg:$0x9] =	wrdreg s23  }
0x17: {  	s6 =	sadd.s32 s1, s6;
	s0 =	sadd.s32 s11, s26;
	s7 =	sadd.s32 s1, s7  }
0x18: {  	s21 =	sshrl.u32 s8, $0x3;
	s10 =	sor.u32 $0x1C09, s24;
	[dreg:$0xb] =	wrdreg s6  }
0x19: {  	s11 =	sshrl.u32 s15, $0x3;
	s26 =	simm.s32 $0x17C40;
	[dreg:$0xd] =	wrdreg s7  }
0x1a: {  	s24 =	simm.s32 $0x1;
	s0 =	sor.u32 s9, s0;
	[dreg:$0x7] =	wrdreg s26  }
0x1b: {  	s4 =	sadd.s32 s4, s21;
	s21 =	simm.s32 $0x9;
	[dreg:$0x12] =	wrdreg s10  }
0x1c: {  	s26 =	simm.s32 $0x2;
	[dreg:$0x13] =	wrdreg s11;
	s20 =	sadd.s32 $0x28000, s0  }
0x1d: {  	[dreg:$0xe] =	wrdreg s4;
	s0 =	sadd.s32 $0x20000, s0;
	s22 =	sshrl.u32 s20, $0x3  }
0x1e: {  	s7 =	simm.s32 $0x0;
	[dreg:$0x11] =	wrdreg s0;
	s23 =	sadd.s32 s22, s1  }
0x1f: {  	s4 =	simm.s32 $0x6;
	s0 =	simm.s32 $0x4;
	[dreg:$0x10] =	wrdreg s23  }
.LBB2_1:
0x20: {  	s6 =	rddreg [dreg:$0x9]  }
0x21: {  	[tilespmem:s18], [sflag:$0x1] =	stream.strided.gather [hbm4b:s6+s16], $0x4000, s17, s16, $0x38;
	[tilespmem:$0x1EAC0] =	vst v63  }
0x22: {  	s22 =	rddreg [dreg:$0xb]  }
0x23: {  	[tilespmem:s19], [sflag:$0x2] =	stream.strided.gather [hbm4b:s22+s16], $0x4000, s17, s16, $0x38;
	[tilespmem:$0x1EAC0] =	vst v63  }
0x24: {  	s23 =	simm.s32 $0x0;
	s8 =	rddreg [dreg:$0xa];
	s9 =	simm.s32 $0x19C40  }
0x25: {  	[tilespmem:s9], [sflag:$0x9] =	stream.linear.gather [hbm4b:s8+s23], $0x4E00, $0x38;
	[tilespmem:$0x1EAC0] =	vst v63  }
0x26: {  	_ =	swait.ge [sflag:s21], $0x4E00  }
0x27: {  	s8 =	simm.s32 @!p0 $0x0;
	[sflag:s21] =	ssyncset.done $0x0  }
0x28: {  	s9 =	simm.s32 @!p0 $0x1EA40;
	s6 =	rddreg [dreg:$0xc];
	[sflag:s21] =	ssyncadd.s32 $0xFFFFB200  }
0x29: {  	[tilespmem:s9], [sflag:$0x9] =	stream.linear.gather @!p0 [hbm4b:s6+s8], $0x80, $0x38;
	[tilespmem:$0x1EAC0] =	vst v63  }
0x2a: {  	s8 =	simm.s32 @!p0 $0x9  }
0x2b: {  	_ =	swait.ge @!p0 [sflag:s8], $0x80  }
0x2c: {  	[sflag:s8] =	ssyncset.done @!p0 $0x0  }
0x2d: {  	s12 =	rddreg [dreg:$0x8];
	[sflag:s8] =	ssyncadd.s32 @!p0 $0xFFFFFF80  }
0x2e: {  	[spmem:s11], [sflag:s10] =	dma.local [hbm:s12], $0x1388  }
0x2f: {  	_ =	swait.ge [sflag:s21], $0x1388  }
0x30: {  	[sflag:s21] =	ssyncset.done $0x0  }
0x31: {  	[sflag:s21] =	ssyncadd.s32 $0xFFFFEC78  }
0x32: {  	[bflag:$0x0] =	sbarrier.arrive $0xFFFF  }
0x33: {  	_ =	swait.ge [sflag:s24], $0x4000  }
0x34: {  	[sflag:s24] =	ssyncset.done $0x0  }
0x35: {  	p1 =	por $0x1, $0x1;
	s13 =	simm.s32 $0x19C40;
	[sflag:s24] =	ssyncadd.s32 $0xFFFFC000  }
0x36: {  	[spmem:s3] =	stream.indirect.scatter.add.f32 [tilespmem:s18], [sflag:$0x5], $0x40, s13, s17, $0xb8;
	[tilespmem:$0x1EAC0] =	vst v63  }
0x37: {  	s14 =	simm.s32 $0x19CC0;
	s9 =	simm.s32 @!p1 $0x7  }
0x38: {  	[spmem:s3] =	stream.indirect.scatter.add.f32 [tilespmem:s25], [sflag:$0x5], $0x40, s14, s17, $0xb8;
	[tilespmem:$0x1EAC0] =	vst v63  }
0x39: {  	s8 =	simm.s32 @!p1 $0x2;
	_ =	swait.ge @!p1 [sflag:s9], $0x2000  }
0x3a: {  	s8 =	simm.s32 @p1 $0x2;
	[sflag:s9] =	ssyncset.done @!p1 $0x0  }
0x3b: {  	s15 =	sshll.u32 s8, $0xF;
	[sflag:s9] =	ssyncadd.s32 @!p1 $0xFFFFE000  }
0x3c: {  	s11 =	sadd.s32 s5, s15;
	_ =	swait.ge @!p1 [sflag:s9], $0x2000  }
0x3d: {  	s11 =	sshrl.u32 s11, $0x3;
	[sflag:s9] =	ssyncset.done @!p1 $0x0  }
0x3e: {  	s20 =	sadd.s32 s1, s11;
	[sflag:s9] =	ssyncadd.s32 @!p1 $0xFFFFE000  }
0x3f: {  	[tilespmem:s28], [sflag:$0x3] =	stream.strided.gather [hbm4b:s20+s16], $0x4000, s17, s16, $0x38;
	[tilespmem:$0x1EAC0] =	vst v63  }
0x40: {  	_ =	swait.ge [sflag:s26], $0x4000  }
0x41: {  	[sflag:s26] =	ssyncset.done $0x0  }
0x42: {  	s22 =	simm.s32 $0x19D40;
	[sflag:s26] =	ssyncadd.s32 $0xFFFFC000  }
0x43: {  	[spmem:s3] =	stream.indirect.scatter.add.f32 [tilespmem:s19], [sflag:$0x6], $0x40, s22, s17, $0xb8;
	[tilespmem:$0x1EAC0] =	vst v63  }
0x44: {  	s23 =	simm.s32 $0x19DC0;
	s9 =	simm.s32 @!p1 $0x8  }
0x45: {  	[spmem:s3] =	stream.indirect.scatter.add.f32 [tilespmem:s29], [sflag:$0x6], $0x40, s23, s17, $0xb8;
	[tilespmem:$0x1EAC0] =	vst v63  }
0x46: {  	s11 =	simm.s32 $0x3;
	_ =	swait.ge @!p1 [sflag:s9], $0x2000  }
0x47: {  	s11 =	simm.s32 @p1 $0x3;
	[sflag:s9] =	ssyncset.done @!p1 $0x0  }
0x48: {  	s12 =	sshll.u32 s11, $0xF;
	[sflag:s9] =	ssyncadd.s32 @!p1 $0xFFFFE000  }
0x49: {  	s12 =	sadd.s32 s5, s12;
	_ =	swait.ge @!p1 [sflag:s9], $0x2000  }
0x4a: {  	s12 =	sshrl.u32 s12, $0x3;
	[sflag:s9] =	ssyncset.done @!p1 $0x0  }
0x4b: {  	s12 =	sadd.s32 s1, s12;
	[sflag:s9] =	ssyncadd.s32 @!p1 $0xFFFFE000  }
0x4c: {  	[tilespmem:s31], [sflag:$0x4] =	stream.strided.gather [hbm4b:s12+s16], $0x4000, s17, s16, $0x38;
	[tilespmem:$0x1EAC0] =	vst v63  }
0x4d: {  	s8 =	sshll.u32 s8, $0x8;
	_ =	swait.ge [sflag:s30], $0x4000  }
0x4e: {  	s8 =	sand.u32 $0x3FFFFF00, s8;
	[sflag:s30] =	ssyncset.done $0x0  }
0x4f: {  	s6 =	sadd.s32 $0x19C40, s8;
	[sflag:s30] =	ssyncadd.s32 $0xFFFFC000  }
0x50: {  	[spmem:s3] =	stream.indirect.scatter.add.f32 [tilespmem:s28], [sflag:$0x7], $0x40, s6, s17, $0xb8;
	[tilespmem:$0x1EAC0] =	vst v63  }
0x51: {  	s8 =	sadd.s32 $0x19CC0, s8;
	s10 =	rddreg [dreg:$0x6]  }
0x52: {  	[spmem:s3] =	stream.indirect.scatter.add.f32 [tilespmem:s10], [sflag:$0x7], $0x40, s8, s17, $0xb8;
	[tilespmem:$0x1EAC0] =	vst v63  }
0x53: {  	_ =	swait.ge [sflag:s2], $0x2000  }
0x54: {  	[sflag:s2] =	ssyncset.done $0x0  }
0x55: {  	[sflag:s2] =	ssyncadd.s32 $0xFFFFE000  }
0x56: {  	_ =	swait.ge [sflag:s2], $0x2000  }
0x57: {  	s13 =	rddreg [dreg:$0x11]  }
0x58: {  	[sflag:s2] =	ssyncset.done $0x0;
	s15 =	sshrl.u32 s13, $0x3  }
0x59: {  	[sflag:s2] =	ssyncadd.s32 $0xFFFFE000;
	s8 =	sadd.s32 s1, s15  }
0x5a: {  	[tilespmem:s18], [sflag:$0x1] =	stream.strided.gather [hbm4b:s8+s16], $0x4000, s17, s16, $0x38;
	[tilespmem:$0x1EAC0] =	vst v63  }
0x5b: {  	s20 =	sshll.u32 s11, $0x8;
	_ =	swait.ge [sflag:s0], $0x4000  }
0x5c: {  	s8 =	sand.u32 $0x3FFFFF00, s20;
	[sflag:s0] =	ssyncset.done $0x0  }
0x5d: {  	s22 =	sadd.s32 $0x19C40, s8;
	[sflag:s0] =	ssyncadd.s32 $0xFFFFC000  }
0x5e: {  	[spmem:s3] =	stream.indirect.scatter.add.f32 [tilespmem:s31], [sflag:$0x8], $0x40, s22, s17, $0xb8;
	[tilespmem:$0x1EAC0] =	vst v63  }
0x5f: {  	s8 =	sadd.s32 $0x19CC0, s8;
	s23 =	rddreg [dreg:$0x7]  }
0x60: {  	[spmem:s3] =	stream.indirect.scatter.add.f32 [tilespmem:s23], [sflag:$0x8], $0x40, s8, s17, $0xb8;
	[tilespmem:$0x1EAC0] =	vst v63  }
0x61: {  	_ =	swait.ge [sflag:s4], $0x2000  }
0x62: {  	s9 =	simm.s32 $0x1000;
	s11 =	sadd.s32 $0x20000, s13;
	s14 =	rddreg [dreg:$0x10]  }
0x63: {  	s20 =	simm.s32 $0x3;
	[sflag:s4] =	ssyncset.done $0x0;
	s8 =	sadd.s32 $0x4000, s14  }
.LBB2_2:
0x64: {  	[sflag:s4] =	ssyncadd.s32 $0xFFFFE000  }
0x65: {  	_ =	swait.ge [sflag:s4], $0x2000  }
0x66: {  	[sflag:s4] =	ssyncset.done $0x0  }
0x67: {  	[sflag:s4] =	ssyncadd.s32 $0xFFFFE000  }
0x68: {  	[tilespmem:s19], [sflag:$0x2] =	stream.strided.gather [hbm4b:s14+s16], $0x4000, s17, s16, $0x38;
	[tilespmem:$0x1EAC0] =	vst v63  }
0x69: {  	s13 =	smov.u32 s9;
	_ =	swait.ge [sflag:s24], $0x4000  }
0x6a: {  	s15 =	sshra.s32 s13, $0x2;
	[sflag:s24] =	ssyncset.done $0x0  }
0x6b: {  	p2 =	seq.s32 s13, $0x0;
	s6 =	sadd.s32 $0x19C40, s15;
	[sflag:s24] =	ssyncadd.s32 $0xFFFFC000  }
0x6c: {  	[spmem:s3] =	stream.indirect.scatter.add.f32 [tilespmem:s18], [sflag:$0x5], $0x40, s6, s17, $0xb8;
	[tilespmem:$0x1EAC0] =	vst v63  }
0x6d: {  	s20 =	sadd.s32 $0x4, s20;
	s10 =	sadd.s32 $0x19CC0, s15;
	s22 =	simm.s32 @!p2 $0x7  }
0x6e: {  	[spmem:s3] =	stream.indirect.scatter.add.f32 [tilespmem:s25], [sflag:$0x5], $0x40, s10, s17, $0xb8;
	[tilespmem:$0x1EAC0] =	vst v63  }
0x6f: {  	s23 =	sadd.s32 @!p2 $0xFFFFFFFF, s20;
	_ =	swait.ge @!p2 [sflag:s22], $0x2000  }
0x70: {  	s23 =	simm.s32 @p2 $0x2;
	[sflag:s22] =	ssyncset.done @!p2 $0x0  }
0x71: {  	s10 =	sshll.u32 s23, $0xF;
	[sflag:s22] =	ssyncadd.s32 @!p2 $0xFFFFE000  }
0x72: {  	s10 =	sadd.s32 s5, s10;
	_ =	swait.ge @!p2 [sflag:s22], $0x2000  }
0x73: {  	s10 =	sshrl.u32 s10, $0x3;
	[sflag:s22] =	ssyncset.done @!p2 $0x0  }
0x74: {  	s10 =	sadd.s32 s1, s10;
	[sflag:s22] =	ssyncadd.s32 @!p2 $0xFFFFE000  }
0x75: {  	[tilespmem:s28], [sflag:$0x3] =	stream.strided.gather [hbm4b:s10+s16], $0x4000, s17, s16, $0x38;
	[tilespmem:$0x1EAC0] =	vst v63  }
0x76: {  	_ =	swait.ge [sflag:s26], $0x4000  }
0x77: {  	[sflag:s26] =	ssyncset.done $0x0  }
0x78: {  	s22 =	sadd.s32 $0x19D40, s15;
	[sflag:s26] =	ssyncadd.s32 $0xFFFFC000  }
0x79: {  	[spmem:s3] =	stream.indirect.scatter.add.f32 [tilespmem:s19], [sflag:$0x6], $0x40, s22, s17, $0xb8;
	[tilespmem:$0x1EAC0] =	vst v63  }
0x7a: {  	s10 =	simm.s32 @!p2 $0x8;
	s22 =	sadd.s32 $0x19DC0, s15  }
0x7b: {  	[spmem:s3] =	stream.indirect.scatter.add.f32 [tilespmem:s29], [sflag:$0x6], $0x40, s22, s17, $0xb8;
	[tilespmem:$0x1EAC0] =	vst v63  }
0x7c: {  	s12 =	smov.u32 s20;
	_ =	swait.ge @!p2 [sflag:s10], $0x2000  }
0x7d: {  	s12 =	simm.s32 @p2 $0x3;
	[sflag:s10] =	ssyncset.done @!p2 $0x0  }
0x7e: {  	s6 =	sshll.u32 s12, $0xF;
	[sflag:s10] =	ssyncadd.s32 @!p2 $0xFFFFE000  }
0x7f: {  	s6 =	sadd.s32 s5, s6;
	_ =	swait.ge @!p2 [sflag:s10], $0x2000  }
0x80: {  	s6 =	sshrl.u32 s6, $0x3;
	[sflag:s10] =	ssyncset.done @!p2 $0x0  }
0x81: {  	s6 =	sadd.s32 s1, s6;
	[sflag:s10] =	ssyncadd.s32 @!p2 $0xFFFFE000  }
0x82: {  	[tilespmem:s31], [sflag:$0x4] =	stream.strided.gather [hbm4b:s6+s16], $0x4000, s17, s16, $0x38;
	[tilespmem:$0x1EAC0] =	vst v63  }
0x83: {  	s23 =	sshll.u32 s23, $0x8;
	_ =	swait.ge [sflag:s30], $0x4000  }
0x84: {  	s23 =	sand.u32 $0x3FFFFF00, s23;
	[sflag:s30] =	ssyncset.done $0x0  }
0x85: {  	s15 =	sadd.s32 $0x19C40, s23;
	[sflag:s30] =	ssyncadd.s32 $0xFFFFC000  }
0x86: {  	[spmem:s3] =	stream.indirect.scatter.add.f32 [tilespmem:s28], [sflag:$0x7], $0x40, s15, s17, $0xb8;
	[tilespmem:$0x1EAC0] =	vst v63  }
0x87: {  	s22 =	sadd.s32 $0x19CC0, s23;
	s23 =	rddreg [dreg:$0x6]  }
0x88: {  	[spmem:s3] =	stream.indirect.scatter.add.f32 [tilespmem:s23], [sflag:$0x7], $0x40, s22, s17, $0xb8;
	[tilespmem:$0x1EAC0] =	vst v63  }
0x89: {  	_ =	swait.ge [sflag:s2], $0x2000  }
0x8a: {  	[sflag:s2] =	ssyncset.done $0x0  }
0x8b: {  	[sflag:s2] =	ssyncadd.s32 $0xFFFFE000  }
0x8c: {  	s12 =	sshll.u32 s12, $0x8;
	_ =	swait.ge [sflag:s2], $0x2000  }
0x8d: {  	s13 =	sand.u32 $0x3FFFFF00, s12;
	s12 =	sshrl.u32 s11, $0x3;
	[sflag:s2] =	ssyncset.done $0x0  }
0x8e: {  	s6 =	sadd.s32 s1, s12;
	[sflag:s2] =	ssyncadd.s32 $0xFFFFE000  }
0x8f: {  	[tilespmem:s18], [sflag:$0x1] =	stream.strided.gather [hbm4b:s6+s16], $0x4000, s17, s16, $0x38;
	[tilespmem:$0x1EAC0] =	vst v63  }
0x90: {  	_ =	swait.ge [sflag:s0], $0x4000  }
0x91: {  	s9 =	sadd.s32 $0x1000, s9;
	[sflag:s0] =	ssyncset.done $0x0  }
0x92: {  	p1 =	sne.s32 s9, $0x13000;
	s15 =	sadd.s32 $0x19C40, s13;
	[sflag:s0] =	ssyncadd.s32 $0xFFFFC000  }
0x93: {  	[spmem:s3] =	stream.indirect.scatter.add.f32 [tilespmem:s31], [sflag:$0x8], $0x40, s15, s17, $0xb8;
	[tilespmem:$0x1EAC0] =	vst v63  }
.Ltmp0:
0x94: {  	_ = 	snop;
	(pc) =	sbr.rel @p1 .LBB2_2-.Ltmp0, $4  }
0x95: {  	s22 =	sadd.s32 $0x19CC0, s13;
	s23 =	rddreg [dreg:$0x7]  }
0x96: {  	[spmem:s3] =	stream.indirect.scatter.add.f32 [tilespmem:s23], [sflag:$0x8], $0x40, s22, s17, $0xb8;
	[tilespmem:$0x1EAC0] =	vst v63  }
0x97: {  	s14 =	smov.u32 s8;
	_ =	swait.ge [sflag:s4], $0x2000  }
0x98: {  	s8 =	sadd.s32 $0x4000, s8;
	s11 =	sadd.s32 $0x20000, s11;
	[sflag:s4] =	ssyncset.done $0x0  }
0x99: {  	[sflag:s4] =	ssyncadd.s32 $0xFFFFE000  }
0x9a: {  	_ =	swait.ge [sflag:s4], $0x2000  }
0x9b: {  	[sflag:s4] =	ssyncset.done $0x0  }
0x9c: {  	[sflag:s4] =	ssyncadd.s32 $0xFFFFE000  }
0x9d: {  	[tilespmem:s19], [sflag:$0x2] =	stream.strided.gather [hbm4b:s14+s16], $0x4000, s17, s16, $0x38;
	[tilespmem:$0x1EAC0] =	vst v63  }
0x9e: {  	_ =	swait.ge [sflag:s24], $0x4000  }
0x9f: {  	[sflag:s24] =	ssyncset.done $0x0  }
0xa0: {  	s6 =	simm.s32 $0x1E840;
	[sflag:s24] =	ssyncadd.s32 $0xFFFFC000  }
0xa1: {  	[spmem:s3] =	stream.indirect.scatter.add.f32 [tilespmem:s18], [sflag:$0x5], $0x40, s6, s17, $0xb8;
	[tilespmem:$0x1EAC0] =	vst v63  }
0xa2: {  	s12 =	simm.s32 $0x1E8C0;
	s13 =	simm.s32 $0x7  }
0xa3: {  	[spmem:s3] =	stream.indirect.scatter.add.f32 [tilespmem:s25], [sflag:$0x5], $0x40, s12, s17, $0xb8;
	[tilespmem:$0x1EAC0] =	vst v63  }
0xa4: {  	_ =	swait.ge [sflag:s13], $0x2000  }
0xa5: {  	[sflag:s13] =	ssyncset.done $0x0  }
0xa6: {  	[sflag:s13] =	ssyncadd.s32 $0xFFFFE000  }
0xa7: {  	_ =	swait.ge [sflag:s13], $0x2000  }
0xa8: {  	[sflag:s13] =	ssyncset.done $0x0  }
0xa9: {  	[sflag:s13] =	ssyncadd.s32 $0xFFFFE000  }
0xaa: {  	_ =	swait.ge [sflag:s26], $0x4000  }
0xab: {  	[sflag:s26] =	ssyncset.done $0x0  }
0xac: {  	s14 =	simm.s32 $0x1E940;
	[sflag:s26] =	ssyncadd.s32 $0xFFFFC000  }
0xad: {  	[spmem:s3] =	stream.indirect.scatter.add.f32 [tilespmem:s19], [sflag:$0x6], $0x40, s14, s17, $0xb8;
	[tilespmem:$0x1EAC0] =	vst v63  }
0xae: {  	s15 =	simm.s32 $0x1E9C0;
	s12 =	simm.s32 $0x8  }
0xaf: {  	[spmem:s3] =	stream.indirect.scatter.add.f32 [tilespmem:s29], [sflag:$0x6], $0x40, s15, s17, $0xb8;
	[tilespmem:$0x1EAC0] =	vst v63  }
0xb0: {  	_ =	swait.ge [sflag:s12], $0x2000  }
0xb1: {  	[sflag:s12] =	ssyncset.done $0x0  }
0xb2: {  	[sflag:s12] =	ssyncadd.s32 $0xFFFFE000  }
0xb3: {  	_ =	swait.ge [sflag:s12], $0x2000  }
0xb4: {  	[sflag:s12] =	ssyncset.done $0x0  }
0xb5: {  	[sflag:s12] =	ssyncadd.s32 $0xFFFFE000  }
0xb6: {  	_ =	swait.ge [sflag:s2], $0x2000  }
0xb7: {  	[sflag:s2] =	ssyncset.done $0x0  }
0xb8: {  	[sflag:s2] =	ssyncadd.s32 $0xFFFFE000  }
0xb9: {  	_ =	swait.ge [sflag:s2], $0x2000  }
0xba: {  	[sflag:s2] =	ssyncset.done $0x0  }
0xbb: {  	[sflag:s2] =	ssyncadd.s32 $0xFFFFE000  }
0xbc: {  	_ =	swait.ge [sflag:s4], $0x2000  }
0xbd: {  	[sflag:s4] =	ssyncset.done $0x0  }
0xbe: {  	[sflag:s4] =	ssyncadd.s32 $0xFFFFE000  }
0xbf: {  	_ =	swait.ge [sflag:s4], $0x2000  }
0xc0: {  	s8 =	simm.s32 @!p0 $0x80;
	s9 =	simm.s32 @!p0 $0x9C40;
	[sflag:s4] =	ssyncset.done $0x0  }
0xc1: {  	s6 =	simm.s32 @!p0 $0x40;
	s10 =	rddreg [dreg:$0xd];
	[sflag:s4] =	ssyncadd.s32 $0xFFFFE000  }
0xc2: {  	[tilespmem:s9], [sflag:$0x9] =	stream.strided.gather @!p0 [hbm4b:s10+s6], $0x2000, s8, s6, $0x38;
	[tilespmem:$0x1EAC0] =	vst v63  }
0xc3: {  	s6 =	simm.s32 @!p0 $0x9  }
0xc4: {  	_ =	swait.ge @!p0 [sflag:s6], $0x2000  }
0xc5: {  	[sflag:s6] =	ssyncset.done @!p0 $0x0  }
0xc6: {  	s10 =	simm.s32 @!p0 $0x1EA40;
	[sflag:s6] =	ssyncadd.s32 @!p0 $0xFFFFE000  }
0xc7: {  	[spmem:s3] =	stream.indirect.scatter.add.f32 @!p0 [tilespmem:s9], [sflag:$0x9], $0x40, s10, s8, $0xb8;
	[tilespmem:$0x1EAC0] =	vst v63  }
0xc8: {  	_ =	swait.ge @!p0 [sflag:s6], $0x2000  }
0xc9: {  	[sflag:s6] =	ssyncset.done @!p0 $0x0  }
0xca: {  	[sflag:s6] =	ssyncadd.s32 @!p0 $0xFFFFE000  }
0xcb: {  	[bflag:$0x0] =	sbarrier.arrive $0xFFFF  }
0xcc: {  	s20 =	rddreg [dreg:$0xe]  }
0xcd: {  	s10 =	rddreg [dreg:$0x12]  }
0xce: {  	s22 =	simm.s32 $0x10;
	s11 =	rddreg [dreg:$0x13]  }
0xcf: {  	[hbm:s20@s22], [sflag:s10] =	dma.strided [spmem:s11@s12], $0x1388, s24, $0x8   }
0xd0: {  	_ =	swait.ge [sflag:s21], $0x1388  }
0xd1: {  	s7 =	sadd.s32 $0x1, s7;
	s23 =	rddreg [dreg:$0xf]  }
0xd2: {  	p1 =	sne.s32 s7, s23  }
.Ltmp1:
0xd3: {  	_ = 	snop;
	(pc) =	sbr.rel @p1 .LBB2_1-.Ltmp1, $3  }
0xd4: {  	_ =	sdelay $0x1  }
0xd5: {  	[sflag:s21] =	ssyncset.done $0x0  }
0xd6: {  	[sflag:s21] =	ssyncadd.s32 $0xFFFFEC78  }
0xd7: {  	_ =	sfence.sel $0x180000  }
0xd8: {  	[bflag:$0x0] =	sbarrier.arrive $0xFFFF  }
0xd9: {  	_ =	strace $0x90000047  }
0xda: {  	s0 =	stileid.u32;
	[bflag:$0x2] =	sbarrier.arrive $0xFFFF  }
0xdb: {  	p0 =	sne.s32 s0, $0x0;
	s0 =	rddreg [dreg:$0x5]  }
0xdc: {  	s0 =	sadd.s32 @!p0 $0x100000, s0  }
0xdd: {  	[sflag:s0] =	ssyncadd.tile.s32 @!p0 $0x1;
	_ =	shalt  }
.Lfunc_end2:
_tile_overlayer_lowered:
.L_overlay_start_2:
0xde: {  	(tag) =	ssettag $0x2  }
0xdf: {  	s0 =	rddreg [dreg:$0x0];
	s2 =	stileid.u32  }
0xe0: {  	s1 =	rddreg [dreg:$0x1];
	p0 =	sne.s32 s2, $0x0  }
0xe1: {  	s3 =	rddreg [dreg:$0x2];
	[bflag:$0x3] =	sbarrier.arrive $0xFFFF;
	s2 =	simm.s32 @!p0 $0x1C09  }
0xe2: {  	[timem:s3], [sflag:s2] =	dma.local @!p0 [hbm:s0], s1  }
0xe3: {  	s0 =	simm.s32 @!p0 $0x9  }
0xe4: {  	_ =	swait.ge @!p0 [sflag:s0], s1  }
0xe5: {  	s1 =	ssub.s32 @!p0 $0x0, s1;
	[sflag:s0] =	ssyncset.done @!p0 $0x0  }
0xe6: {  	[sflag:s0] =	ssyncadd.s32 @!p0 s1  }
0xe7: {  	[bflag:$0x3] =	sbarrier.arrive $0xFFFF  }
0xe8: {  	_ =	shalt  }

</sc_bundles>
